<compile_context>
chip_gen: v7x
topology: tpu7x:2x2x1
jax: 0.10.2.dev20260603
libtpu: 0.0.44.dev20260713+nightly
codegen_flags: <defaults>
</compile_context>

<pallas_src>
import functools

import jax
import jax.numpy as jnp
from jax import lax
from jax.experimental import pallas as pl
from jax.experimental.pallas import tpu as pltpu
from jax.experimental.pallas import tpu_sc as plsc

_B, _N1, _N2, _C2, _MLP = 16, 1024, 256, 512, 256


def _knn_kernel(xyz1_ref, feat1_ref, xyz2t_ref, W1b_ref, b1_ref,
                idx_ref, wv_ref, h1_ref, *, n2):
    b = pl.program_id(0)
    x1 = xyz1_ref[0]
    x2t = xyz2t_ref[0]
    blk = x1.shape[0]

    d = jnp.zeros((blk, n2), dtype=jnp.float32)
    for k in range(3):
        diff = x1[:, k:k + 1] - x2t[k:k + 1, :]
        d = d + diff * diff

    inf = jnp.float32(jnp.inf)
    lane = jax.lax.broadcasted_iota(jnp.int32, (blk, n2), 1)
    m1 = jnp.min(d, axis=1, keepdims=True)
    i1 = jnp.min(jnp.where(d == m1, lane, n2), axis=1, keepdims=True)
    k2 = jnp.where(lane == i1, inf, d)
    m2 = jnp.min(k2, axis=1, keepdims=True)
    i2 = jnp.min(jnp.where(k2 == m2, lane, n2), axis=1, keepdims=True)
    k3 = jnp.where(lane == i2, inf, k2)
    m3 = jnp.min(k3, axis=1, keepdims=True)
    i3 = jnp.min(jnp.where(k3 == m3, lane, n2), axis=1, keepdims=True)

    w1 = 1.0 / jnp.maximum(m1, 1e-10)
    w2 = 1.0 / jnp.maximum(m2, 1e-10)
    w3 = 1.0 / jnp.maximum(m3, 1e-10)
    inv = 1.0 / (w1 + w2 + w3)

    base = b * n2
    for k, (ik, wk) in enumerate(((i1, w1), (i2, w2), (i3, w3))):
        idx_ref[0, k, :] = (ik + base)[:, 0]
        wv_ref[0, k, :, :] = jnp.broadcast_to(wk * inv, (blk, 16))

    h1_ref[0] = jnp.dot(feat1_ref[0], W1b_ref[...],
                        preferred_element_type=jnp.float32) + b1_ref[...]


def _mlp_kernel(interp_ref, h1_ref, W1a_ref, W2_ref, b2_ref, out_ref):
    h = h1_ref[0] + jnp.dot(interp_ref[0], W1a_ref[...],
                            preferred_element_type=jnp.float32)
    h = jnp.maximum(h, 0.0)
    out = jnp.dot(h, W2_ref[...], preferred_element_type=jnp.float32)
    out_ref[0] = jnp.maximum(out + b2_ref[...], 0.0)


_NW = 32
_CH = 32
_Q = _B * _N1
_QW = _Q // _NW


def _sc_interp(table, idxf, wv):
    mesh = plsc.VectorSubcoreMesh(core_axis_name="c", subcore_axis_name="s")

    @functools.partial(
        pl.kernel, mesh=mesh,
        out_type=jax.ShapeDtypeStruct((_Q, _C2), jnp.float32),
        scratch_types=[
            pltpu.VMEM((_CH,), jnp.int32),
            pltpu.VMEM((_CH,), jnp.int32),
            pltpu.VMEM((_CH,), jnp.int32),
            pltpu.VMEM((_CH, _C2), jnp.float32),
            pltpu.VMEM((_CH, _C2), jnp.float32),
            pltpu.VMEM((_CH, _C2), jnp.float32),
            pltpu.VMEM((3, _CH, 16), jnp.float32),
            pltpu.VMEM((_CH, _C2), jnp.float32),
            pltpu.SemaphoreType.DMA,
            pltpu.SemaphoreType.DMA,
            pltpu.SemaphoreType.DMA,
        ],
    )
    def k(table_hbm, idx_hbm, wv_hbm, out_hbm,
          i0_v, i1_v, i2_v, r0_v, r1_v, r2_v, w_v, out_v, s0, s1, s2):
        wid = lax.axis_index("s") * 2 + lax.axis_index("c")
        qw_base = wid * _QW
        bidx = qw_base // _N1

        def chunk_body(c, _):
            q0 = qw_base + c * _CH
            n0 = q0 - bidx * _N1
            pltpu.sync_copy(idx_hbm.at[bidx, 0, pl.ds(n0, _CH)], i0_v)
            pltpu.sync_copy(idx_hbm.at[bidx, 1, pl.ds(n0, _CH)], i1_v)
            pltpu.sync_copy(idx_hbm.at[bidx, 2, pl.ds(n0, _CH)], i2_v)
            pltpu.sync_copy(wv_hbm.at[bidx, :, pl.ds(n0, _CH), :], w_v)
            cp0 = pltpu.async_copy(table_hbm.at[i0_v], r0_v, s0)
            cp1 = pltpu.async_copy(table_hbm.at[i1_v], r1_v, s1)
            cp2 = pltpu.async_copy(table_hbm.at[i2_v], r2_v, s2)
            cp0.wait()
            cp1.wait()
            cp2.wait()

            def q_body(q, _):
                w0 = w_v[0, q, :]
                w1 = w_v[1, q, :]
                w2 = w_v[2, q, :]
                for l in range(_C2 // 16):
                    sl = pl.ds(l * 16, 16)
                    acc = w0 * r0_v[q, sl]
                    acc = acc + w1 * r1_v[q, sl]
                    acc = acc + w2 * r2_v[q, sl]
                    out_v[q, sl] = acc
                return 0

            lax.fori_loop(0, _CH, q_body, 0)
            pltpu.sync_copy(out_v, out_hbm.at[pl.ds(q0, _CH)])
            return 0

        lax.fori_loop(0, _QW // _CH, chunk_body, 0)

    return k(table, idxf, wv)


@jax.jit
def kernel(xyz1, feat1, xyz2, feat2, W1, b1, W2, b2):
    xyz2t = jnp.swapaxes(xyz2, 1, 2)
    b1r = b1.reshape(1, _MLP)
    b2r = b2.reshape(1, _MLP)
    W1a = W1[:_C2]
    W1b = W1[_C2:]

    idxf, wv, h1 = pl.pallas_call(
        functools.partial(_knn_kernel, n2=_N2),
        grid=(_B,),
        in_specs=[
            pl.BlockSpec((1, _N1, 3), lambda b: (b, 0, 0)),
            pl.BlockSpec((1, _N1, 256), lambda b: (b, 0, 0)),
            pl.BlockSpec((1, 3, _N2), lambda b: (b, 0, 0)),
            pl.BlockSpec((256, _MLP), lambda b: (0, 0)),
            pl.BlockSpec((1, _MLP), lambda b: (0, 0)),
        ],
        out_specs=[
            pl.BlockSpec((1, 3, _N1), lambda b: (b, 0, 0)),
            pl.BlockSpec((1, 3, _N1, 16), lambda b: (b, 0, 0, 0)),
            pl.BlockSpec((1, _N1, _MLP), lambda b: (b, 0, 0)),
        ],
        out_shape=[
            jax.ShapeDtypeStruct((_B, 3, _N1), jnp.int32),
            jax.ShapeDtypeStruct((_B, 3, _N1, 16), jnp.float32),
            jax.ShapeDtypeStruct((_B, _N1, _MLP), jnp.float32),
        ],
    )(xyz1, feat1, xyz2t, W1b, b1r)

    table = feat2.reshape(_B * _N2, _C2)
    interp = _sc_interp(table, idxf, wv).reshape(_B, _N1, _C2)

    out = pl.pallas_call(
        _mlp_kernel,
        grid=(_B,),
        in_specs=[
            pl.BlockSpec((1, _N1, _C2), lambda b: (b, 0, 0)),
            pl.BlockSpec((1, _N1, _MLP), lambda b: (b, 0, 0)),
            pl.BlockSpec((_C2, _MLP), lambda b: (0, 0)),
            pl.BlockSpec((_MLP, _MLP), lambda b: (0, 0)),
            pl.BlockSpec((1, _MLP), lambda b: (0, 0)),
        ],
        out_specs=pl.BlockSpec((1, _N1, _MLP), lambda b: (b, 0, 0)),
        out_shape=jax.ShapeDtypeStruct((_B, _N1, _MLP), jnp.float32),
    )(interp, h1, W1a, W2, b2r)
    return out

# --- scband reference (transcript-rebuilt; emitter-appended) ---
"""Pipeline reference for scband-feature-propagation-22531398435369 (READ-ONLY COPY).

The authoritative reference and input builder live on the scoring server;
editing this copy changes nothing except your own understanding.
"""

import jax, jax.numpy as jnp
import numpy as np

B, N1, N2, C1, C2, MLP = 16, 1024, 256, 256, 512, 256

def setup_inputs(seed: int = 0):
    key = jax.random.key(seed)
    ks = jax.random.split(key, 6)
    xyz1 = jax.random.normal(ks[0], (B, N1, 3), dtype=jnp.float32)
    feat1 = jax.random.normal(ks[1], (B, N1, C1), dtype=jnp.float32)
    xyz2 = jax.random.normal(ks[2], (B, N2, 3), dtype=jnp.float32)
    feat2 = jax.random.normal(ks[3], (B, N2, C2), dtype=jnp.float32)
    W1 = jax.random.normal(ks[4], (C1 + C2, MLP), dtype=jnp.float32) * 0.02
    b1 = jnp.zeros((MLP,), dtype=jnp.float32)
    W2 = jax.random.normal(ks[5], (MLP, MLP), dtype=jnp.float32) * 0.02
    b2 = jnp.zeros((MLP,), dtype=jnp.float32)
    return {"xyz1": xyz1, "feat1": feat1, "xyz2": xyz2, "feat2": feat2, "W1": W1, "b1": b1, "W2": W2, "b2": b2}

def reference(xyz1, feat1, xyz2, feat2, W1, b1, W2, b2):
    # pairwise squared distances [B, N1, N2]
    dists = jnp.sum((xyz1[:, :, None, :] - xyz2[:, None, :, :]) ** 2, axis=-1)
    # 3 nearest neighbors in xyz2 for each point in xyz1
    idx = jnp.argsort(dists, axis=-1)[:, :, :3]
    d3 = jnp.take_along_axis(dists, idx, axis=-1)
    d3 = jnp.maximum(d3, 1e-10)
    w = 1.0 / d3
    w = w / jnp.sum(w, axis=-1, keepdims=True)
    # gather neighbor features: [B, N1, 3, C2]
    neighbor_feats = jax.vmap(lambda f, i: f[i])(feat2, idx)
    interpolated = jnp.sum(w[..., None] * neighbor_feats, axis=2)
    new_feat = jnp.concatenate([interpolated, feat1], axis=-1)
    h = jax.nn.relu(new_feat @ W1 + b1)
    out = jax.nn.relu(h @ W2 + b2)
    return out

if __name__ == "__main__":
    import jax
    _d = setup_inputs()
    print(jax.jit(kernel)(*tuple(_d.values())))

</pallas_src>

<mosaic_0001>
#map = affine_map<(d0, d1) -> (0, 0)>
#map1 = affine_map<(d0, d1) -> (0, 0, 0)>
#map2 = affine_map<(d0, d1) -> (0, 0, 0, 0)>
module attributes {stable_mosaic.version = 14 : i64} {
  func.func @k(%arg0: i32, %arg1: i32, %arg2: memref<4096x512xf32, #tpu.memory_space<hbm>>, %arg3: memref<16x3x1024xi32, #tpu.memory_space<hbm>>, %arg4: memref<16x3x1024x16xf32, #tpu.memory_space<hbm>>, %arg5: memref<16384x512xf32, #tpu.memory_space<hbm>>, %arg6: memref<32xi32, #tpu.memory_space<vmem>>, %arg7: memref<32xi32, #tpu.memory_space<vmem>>, %arg8: memref<32xi32, #tpu.memory_space<vmem>>, %arg9: memref<32x512xf32, #tpu.memory_space<vmem>>, %arg10: memref<32x512xf32, #tpu.memory_space<vmem>>, %arg11: memref<32x512xf32, #tpu.memory_space<vmem>>, %arg12: memref<3x32x16xf32, #tpu.memory_space<vmem>>, %arg13: memref<32x512xf32, #tpu.memory_space<vmem>>, %arg14: memref<!tpu.dma_semaphore, #tpu.memory_space<semaphore_mem>>, %arg15: memref<!tpu.dma_semaphore, #tpu.memory_space<semaphore_mem>>, %arg16: memref<!tpu.dma_semaphore, #tpu.memory_space<semaphore_mem>>) attributes {dimension_semantics = [#tpu.dimension_semantics<core_parallel>, #tpu.dimension_semantics<subcore_parallel>], iteration_bounds = array<i64: 2, 16>, scalar_prefetch = 0 : i64, scratch_operands = 11 : i64, tpu.core_type = #tpu.core_type<sc_vector_subcore>, window_params = [{transform_indices = #map}, {transform_indices = #map1}, {transform_indices = #map2}, {transform_indices = #map}]} {
    %mul3A = arith.constant 2 : i32
    %mul3A_0 = arith.muli %arg1, %mul3A : i32
    %add3A = arith.addi %mul3A_0, %arg0 : i32
    %mul3A_1 = arith.constant 512 : i32
    %mul3A_2 = arith.muli %add3A, %mul3A_1 : i32
    %jit3A = arith.constant 1024 : i32
    %div3A = arith.divsi %mul3A_2, %jit3A : i32
    %sign3A = arith.constant 0 : i32
    %sign3A_3 = arith.cmpi sgt, %mul3A_2, %sign3A : i32
    %sign3A_4 = arith.extui %sign3A_3 : i1 to i32
    %sign3A_5 = arith.constant 0 : i32
    %sign3A_6 = arith.cmpi slt, %mul3A_2, %sign3A_5 : i32
    %sign3A_7 = arith.extui %sign3A_6 : i1 to i32
    %sign3A_8 = arith.subi %sign3A_4, %sign3A_7 : i32
    %sign3A_9 = arith.constant 0 : i32
    %sign3A_10 = arith.cmpi sgt, %jit3A, %sign3A_9 : i32
    %sign3A_11 = arith.extui %sign3A_10 : i1 to i32
    %sign3A_12 = arith.constant 0 : i32
    %sign3A_13 = arith.cmpi slt, %jit3A, %sign3A_12 : i32
    %sign3A_14 = arith.extui %sign3A_13 : i1 to i32
    %sign3A_15 = arith.subi %sign3A_11, %sign3A_14 : i32
    %ne3A = arith.cmpi ne, %sign3A_8, %sign3A_15 : i32
    %rem3A = arith.remsi %mul3A_2, %jit3A : i32
    %ne3A_16 = arith.constant 0 : i32
    %ne3A_17 = arith.cmpi ne, %rem3A, %ne3A_16 : i32
    %and3A = arith.andi %ne3A, %ne3A_17 : i1
    %sub3A = arith.constant 1 : i32
    %sub3A_18 = arith.subi %div3A, %sub3A : i32
    %select_n3A = arith.select %and3A, %sub3A_18, %div3A : i32
    %scan3A = arith.constant 0 : i32
    %scan3A_19 = arith.constant 0 : i32
    %scan3A_20 = arith.constant 16 : i32
    %scan3A_21 = arith.addi %scan3A_19, %scan3A_20 : i32
    %scan3A_22 = arith.constant 1 : i32
    %scan3A_23 = scf.for %scan3A_25 = %scan3A_19 to %scan3A_21 step %scan3A_22 iter_args(%scan3A_26 = %scan3A) -> (i32)  : i32 {
      %mul3A_27 = arith.constant 32 : i32
      %mul3A_28 = arith.muli %scan3A_25, %mul3A_27 : i32
      %add3A_29 = arith.addi %mul3A_2, %mul3A_28 : i32
      %mul3A_30 = arith.constant 1024 : i32
      %mul3A_31 = arith.muli %select_n3A, %mul3A_30 : i32
      %sub3A_32 = arith.subi %add3A_29, %mul3A_31 : i32
      %run_scoped3A = arith.constant 0 : i32
      "tpu.region"() ({
        %run_scoped3A_59 = tpu.sem_alloc : memref<!tpu.dma_semaphore, #tpu.memory_space<semaphore_mem>>
        %dma_start3A_60 = tpu.memref_slice %arg3[%select_n3A, %run_scoped3A, %sub3A_32] : memref<16x3x1024xi32, #tpu.memory_space<hbm>> -> memref<1x1x32xi32, #tpu.memory_space<hbm>>
        %dma_start3A_61 = tpu.memref_squeeze %dma_start3A_60 : memref<1x1x32xi32, #tpu.memory_space<hbm>> -> memref<32xi32, #tpu.memory_space<hbm>>
        %dma_start3A_62 = tpu.memref_slice %arg3[%select_n3A, %run_scoped3A, %sub3A_32] : memref<16x3x1024xi32, #tpu.memory_space<hbm>> -> memref<1x1x32xi32, #tpu.memory_space<hbm>>
        %dma_start3A_63 = tpu.memref_squeeze %dma_start3A_62 : memref<1x1x32xi32, #tpu.memory_space<hbm>> -> memref<32xi32, #tpu.memory_space<hbm>>
        tpu.enqueue_dma source(%dma_start3A_63 : memref<32xi32, #tpu.memory_space<hbm>>) target(%arg6 : memref<32xi32, #tpu.memory_space<vmem>>) target_semaphore(%run_scoped3A_59 : memref<!tpu.dma_semaphore, #tpu.memory_space<semaphore_mem>>)
        %dma_wait3A_64 = tpu.memref_slice %arg3[%select_n3A, %run_scoped3A, %sub3A_32] : memref<16x3x1024xi32, #tpu.memory_space<hbm>> -> memref<1x1x32xi32, #tpu.memory_space<hbm>>
        %dma_wait3A_65 = tpu.memref_squeeze %dma_wait3A_64 : memref<1x1x32xi32, #tpu.memory_space<hbm>> -> memref<32xi32, #tpu.memory_space<hbm>>
        %dma_wait3A_66 = tpu.memref_slice %arg3[%select_n3A, %run_scoped3A, %sub3A_32] : memref<16x3x1024xi32, #tpu.memory_space<hbm>> -> memref<1x1x32xi32, #tpu.memory_space<hbm>>
        %dma_wait3A_67 = tpu.memref_squeeze %dma_wait3A_66 : memref<1x1x32xi32, #tpu.memory_space<hbm>> -> memref<32xi32, #tpu.memory_space<hbm>>
        tpu.wait_dma2 semaphore(%run_scoped3A_59 : memref<!tpu.dma_semaphore, #tpu.memory_space<semaphore_mem>>) src(%dma_wait3A_67 : memref<32xi32, #tpu.memory_space<hbm>>) dst(%arg6 : memref<32xi32, #tpu.memory_space<vmem>>)
        tpu.yield
      }) : () -> ()
      %run_scoped3A_33 = arith.constant 1 : i32
      "tpu.region"() ({
        %run_scoped3A_59 = tpu.sem_alloc : memref<!tpu.dma_semaphore, #tpu.memory_space<semaphore_mem>>
        %dma_start3A_60 = tpu.memref_slice %arg3[%select_n3A, %run_scoped3A_33, %sub3A_32] : memref<16x3x1024xi32, #tpu.memory_space<hbm>> -> memref<1x1x32xi32, #tpu.memory_space<hbm>>
        %dma_start3A_61 = tpu.memref_squeeze %dma_start3A_60 : memref<1x1x32xi32, #tpu.memory_space<hbm>> -> memref<32xi32, #tpu.memory_space<hbm>>
        %dma_start3A_62 = tpu.memref_slice %arg3[%select_n3A, %run_scoped3A_33, %sub3A_32] : memref<16x3x1024xi32, #tpu.memory_space<hbm>> -> memref<1x1x32xi32, #tpu.memory_space<hbm>>
        %dma_start3A_63 = tpu.memref_squeeze %dma_start3A_62 : memref<1x1x32xi32, #tpu.memory_space<hbm>> -> memref<32xi32, #tpu.memory_space<hbm>>
        tpu.enqueue_dma source(%dma_start3A_63 : memref<32xi32, #tpu.memory_space<hbm>>) target(%arg7 : memref<32xi32, #tpu.memory_space<vmem>>) target_semaphore(%run_scoped3A_59 : memref<!tpu.dma_semaphore, #tpu.memory_space<semaphore_mem>>)
        %dma_wait3A_64 = tpu.memref_slice %arg3[%select_n3A, %run_scoped3A_33, %sub3A_32] : memref<16x3x1024xi32, #tpu.memory_space<hbm>> -> memref<1x1x32xi32, #tpu.memory_space<hbm>>
        %dma_wait3A_65 = tpu.memref_squeeze %dma_wait3A_64 : memref<1x1x32xi32, #tpu.memory_space<hbm>> -> memref<32xi32, #tpu.memory_space<hbm>>
        %dma_wait3A_66 = tpu.memref_slice %arg3[%select_n3A, %run_scoped3A_33, %sub3A_32] : memref<16x3x1024xi32, #tpu.memory_space<hbm>> -> memref<1x1x32xi32, #tpu.memory_space<hbm>>
        %dma_wait3A_67 = tpu.memref_squeeze %dma_wait3A_66 : memref<1x1x32xi32, #tpu.memory_space<hbm>> -> memref<32xi32, #tpu.memory_space<hbm>>
        tpu.wait_dma2 semaphore(%run_scoped3A_59 : memref<!tpu.dma_semaphore, #tpu.memory_space<semaphore_mem>>) src(%dma_wait3A_67 : memref<32xi32, #tpu.memory_space<hbm>>) dst(%arg7 : memref<32xi32, #tpu.memory_space<vmem>>)
        tpu.yield
      }) : () -> ()
      %run_scoped3A_34 = arith.constant 2 : i32
      "tpu.region"() ({
        %run_scoped3A_59 = tpu.sem_alloc : memref<!tpu.dma_semaphore, #tpu.memory_space<semaphore_mem>>
        %dma_start3A_60 = tpu.memref_slice %arg3[%select_n3A, %run_scoped3A_34, %sub3A_32] : memref<16x3x1024xi32, #tpu.memory_space<hbm>> -> memref<1x1x32xi32, #tpu.memory_space<hbm>>
        %dma_start3A_61 = tpu.memref_squeeze %dma_start3A_60 : memref<1x1x32xi32, #tpu.memory_space<hbm>> -> memref<32xi32, #tpu.memory_space<hbm>>
        %dma_start3A_62 = tpu.memref_slice %arg3[%select_n3A, %run_scoped3A_34, %sub3A_32] : memref<16x3x1024xi32, #tpu.memory_space<hbm>> -> memref<1x1x32xi32, #tpu.memory_space<hbm>>
        %dma_start3A_63 = tpu.memref_squeeze %dma_start3A_62 : memref<1x1x32xi32, #tpu.memory_space<hbm>> -> memref<32xi32, #tpu.memory_space<hbm>>
        tpu.enqueue_dma source(%dma_start3A_63 : memref<32xi32, #tpu.memory_space<hbm>>) target(%arg8 : memref<32xi32, #tpu.memory_space<vmem>>) target_semaphore(%run_scoped3A_59 : memref<!tpu.dma_semaphore, #tpu.memory_space<semaphore_mem>>)
        %dma_wait3A_64 = tpu.memref_slice %arg3[%select_n3A, %run_scoped3A_34, %sub3A_32] : memref<16x3x1024xi32, #tpu.memory_space<hbm>> -> memref<1x1x32xi32, #tpu.memory_space<hbm>>
        %dma_wait3A_65 = tpu.memref_squeeze %dma_wait3A_64 : memref<1x1x32xi32, #tpu.memory_space<hbm>> -> memref<32xi32, #tpu.memory_space<hbm>>
        %dma_wait3A_66 = tpu.memref_slice %arg3[%select_n3A, %run_scoped3A_34, %sub3A_32] : memref<16x3x1024xi32, #tpu.memory_space<hbm>> -> memref<1x1x32xi32, #tpu.memory_space<hbm>>
        %dma_wait3A_67 = tpu.memref_squeeze %dma_wait3A_66 : memref<1x1x32xi32, #tpu.memory_space<hbm>> -> memref<32xi32, #tpu.memory_space<hbm>>
        tpu.wait_dma2 semaphore(%run_scoped3A_59 : memref<!tpu.dma_semaphore, #tpu.memory_space<semaphore_mem>>) src(%dma_wait3A_67 : memref<32xi32, #tpu.memory_space<hbm>>) dst(%arg8 : memref<32xi32, #tpu.memory_space<vmem>>)
        tpu.yield
      }) : () -> ()
      "tpu.region"() ({
        %run_scoped3A_59 = tpu.sem_alloc : memref<!tpu.dma_semaphore, #tpu.memory_space<semaphore_mem>>
        %dma_start3A_60 = arith.constant 0 : i32
        %dma_start3A_61 = arith.constant 0 : i32
        %dma_start3A_62 = tpu.memref_slice %arg4[%select_n3A, %dma_start3A_60, %sub3A_32, %dma_start3A_61] : memref<16x3x1024x16xf32, #tpu.memory_space<hbm>> -> memref<1x3x32x16xf32, #tpu.memory_space<hbm>>
        %dma_start3A_63 = tpu.memref_squeeze %dma_start3A_62 : memref<1x3x32x16xf32, #tpu.memory_space<hbm>> -> memref<3x32x16xf32, #tpu.memory_space<hbm>>
        %dma_start3A_64 = arith.constant 0 : i32
        %dma_start3A_65 = arith.constant 0 : i32
        %dma_start3A_66 = tpu.memref_slice %arg4[%select_n3A, %dma_start3A_64, %sub3A_32, %dma_start3A_65] : memref<16x3x1024x16xf32, #tpu.memory_space<hbm>> -> memref<1x3x32x16xf32, #tpu.memory_space<hbm>>
        %dma_start3A_67 = tpu.memref_squeeze %dma_start3A_66 : memref<1x3x32x16xf32, #tpu.memory_space<hbm>> -> memref<3x32x16xf32, #tpu.memory_space<hbm>>
        tpu.enqueue_dma source(%dma_start3A_67 : memref<3x32x16xf32, #tpu.memory_space<hbm>>) target(%arg12 : memref<3x32x16xf32, #tpu.memory_space<vmem>>) target_semaphore(%run_scoped3A_59 : memref<!tpu.dma_semaphore, #tpu.memory_space<semaphore_mem>>)
        %dma_wait3A_68 = arith.constant 0 : i32
        %dma_wait3A_69 = arith.constant 0 : i32
        %dma_wait3A_70 = tpu.memref_slice %arg4[%select_n3A, %dma_wait3A_68, %sub3A_32, %dma_wait3A_69] : memref<16x3x1024x16xf32, #tpu.memory_space<hbm>> -> memref<1x3x32x16xf32, #tpu.memory_space<hbm>>
        %dma_wait3A_71 = tpu.memref_squeeze %dma_wait3A_70 : memref<1x3x32x16xf32, #tpu.memory_space<hbm>> -> memref<3x32x16xf32, #tpu.memory_space<hbm>>
        %dma_wait3A_72 = arith.constant 0 : i32
        %dma_wait3A_73 = arith.constant 0 : i32
        %dma_wait3A_74 = tpu.memref_slice %arg4[%select_n3A, %dma_wait3A_72, %sub3A_32, %dma_wait3A_73] : memref<16x3x1024x16xf32, #tpu.memory_space<hbm>> -> memref<1x3x32x16xf32, #tpu.memory_space<hbm>>
        %dma_wait3A_75 = tpu.memref_squeeze %dma_wait3A_74 : memref<1x3x32x16xf32, #tpu.memory_space<hbm>> -> memref<3x32x16xf32, #tpu.memory_space<hbm>>
        tpu.wait_dma2 semaphore(%run_scoped3A_59 : memref<!tpu.dma_semaphore, #tpu.memory_space<semaphore_mem>>) src(%dma_wait3A_75 : memref<3x32x16xf32, #tpu.memory_space<hbm>>) dst(%arg12 : memref<3x32x16xf32, #tpu.memory_space<vmem>>)
        tpu.yield
      }) : () -> ()
      %dma_start3A = arith.constant 0 : i32
      %dma_start3A_35 = arith.constant 0 : i32
      %dma_start3A_36 = tpu.memref_slice %arg2[%dma_start3A, %dma_start3A_35] : memref<4096x512xf32, #tpu.memory_space<hbm>> -> memref<4096x512xf32, #tpu.memory_space<hbm>>
      tpu.enqueue_indirect_dma source(%dma_start3A_36 : memref<4096x512xf32, #tpu.memory_space<hbm>>) target(%arg9 : memref<32x512xf32, #tpu.memory_space<vmem>>) offsets(%arg6 : memref<32xi32, #tpu.memory_space<vmem>>) semaphore(%arg14 : memref<!tpu.dma_semaphore, #tpu.memory_space<semaphore_mem>>)
      %dma_start3A_37 = arith.constant 0 : i32
      %dma_start3A_38 = arith.constant 0 : i32
      %dma_start3A_39 = tpu.memref_slice %arg2[%dma_start3A_37, %dma_start3A_38] : memref<4096x512xf32, #tpu.memory_space<hbm>> -> memref<4096x512xf32, #tpu.memory_space<hbm>>
      tpu.enqueue_indirect_dma source(%dma_start3A_39 : memref<4096x512xf32, #tpu.memory_space<hbm>>) target(%arg10 : memref<32x512xf32, #tpu.memory_space<vmem>>) offsets(%arg7 : memref<32xi32, #tpu.memory_space<vmem>>) semaphore(%arg15 : memref<!tpu.dma_semaphore, #tpu.memory_space<semaphore_mem>>)
      %dma_start3A_40 = arith.constant 0 : i32
      %dma_start3A_41 = arith.constant 0 : i32
      %dma_start3A_42 = tpu.memref_slice %arg2[%dma_start3A_40, %dma_start3A_41] : memref<4096x512xf32, #tpu.memory_space<hbm>> -> memref<4096x512xf32, #tpu.memory_space<hbm>>
      tpu.enqueue_indirect_dma source(%dma_start3A_42 : memref<4096x512xf32, #tpu.memory_space<hbm>>) target(%arg11 : memref<32x512xf32, #tpu.memory_space<vmem>>) offsets(%arg8 : memref<32xi32, #tpu.memory_space<vmem>>) semaphore(%arg16 : memref<!tpu.dma_semaphore, #tpu.memory_space<semaphore_mem>>)
      %dma_wait3A = arith.constant 0 : i32
      %dma_wait3A_43 = arith.constant 0 : i32
      %dma_wait3A_44 = tpu.memref_slice %arg2[%dma_wait3A, %dma_wait3A_43] : memref<4096x512xf32, #tpu.memory_space<hbm>> -> memref<4096x512xf32, #tpu.memory_space<hbm>>
      tpu.wait_indirect_dma semaphore(%arg14 : memref<!tpu.dma_semaphore, #tpu.memory_space<semaphore_mem>>) src(%dma_wait3A_44 : memref<4096x512xf32, #tpu.memory_space<hbm>>) dst(%arg9 : memref<32x512xf32, #tpu.memory_space<vmem>>)
      %dma_wait3A_45 = arith.constant 0 : i32
      %dma_wait3A_46 = arith.constant 0 : i32
      %dma_wait3A_47 = tpu.memref_slice %arg2[%dma_wait3A_45, %dma_wait3A_46] : memref<4096x512xf32, #tpu.memory_space<hbm>> -> memref<4096x512xf32, #tpu.memory_space<hbm>>
      tpu.wait_indirect_dma semaphore(%arg15 : memref<!tpu.dma_semaphore, #tpu.memory_space<semaphore_mem>>) src(%dma_wait3A_47 : memref<4096x512xf32, #tpu.memory_space<hbm>>) dst(%arg10 : memref<32x512xf32, #tpu.memory_space<vmem>>)
      %dma_wait3A_48 = arith.constant 0 : i32
      %dma_wait3A_49 = arith.constant 0 : i32
      %dma_wait3A_50 = tpu.memref_slice %arg2[%dma_wait3A_48, %dma_wait3A_49] : memref<4096x512xf32, #tpu.memory_space<hbm>> -> memref<4096x512xf32, #tpu.memory_space<hbm>>
      tpu.wait_indirect_dma semaphore(%arg16 : memref<!tpu.dma_semaphore, #tpu.memory_space<semaphore_mem>>) src(%dma_wait3A_50 : memref<4096x512xf32, #tpu.memory_space<hbm>>) dst(%arg11 : memref<32x512xf32, #tpu.memory_space<vmem>>)
      %scan3A_51 = arith.constant 0 : i32
      %scan3A_52 = arith.constant 0 : i32
      %scan3A_53 = arith.constant 32 : i32
      %scan3A_54 = arith.addi %scan3A_52, %scan3A_53 : i32
      %scan3A_55 = arith.constant 1 : i32
      %scan3A_56 = scf.for %scan3A_59 = %scan3A_52 to %scan3A_54 step %scan3A_55 iter_args(%scan3A_60 = %scan3A_51) -> (i32)  : i32 {
        %get3A = arith.constant 0 : i32
        %get3A_61 = arith.index_cast %get3A : i32 to index
        %get3A_62 = arith.index_cast %scan3A_59 : i32 to index
        %get3A_63 = arith.constant 0 : index
        %get3A_64 = tpu.vector_load %arg12[%get3A_61, %get3A_62, %get3A_63] {strides = array<i32>} : memref<3x32x16xf32, #tpu.memory_space<vmem>>, vector<1x1x16xf32>,
        %get3A_65 = vector.shape_cast %get3A_64 : vector<1x1x16xf32> to vector<16xf32>
        %get3A_66 = arith.constant 1 : i32
        %get3A_67 = arith.index_cast %get3A_66 : i32 to index
        %get3A_68 = arith.index_cast %scan3A_59 : i32 to index
        %get3A_69 = arith.constant 0 : index
        %get3A_70 = tpu.vector_load %arg12[%get3A_67, %get3A_68, %get3A_69] {strides = array<i32>} : memref<3x32x16xf32, #tpu.memory_space<vmem>>, vector<1x1x16xf32>,
        %get3A_71 = vector.shape_cast %get3A_70 : vector<1x1x16xf32> to vector<16xf32>
        %get3A_72 = arith.constant 2 : i32
        %get3A_73 = arith.index_cast %get3A_72 : i32 to index
        %get3A_74 = arith.index_cast %scan3A_59 : i32 to index
        %get3A_75 = arith.constant 0 : index
        %get3A_76 = tpu.vector_load %arg12[%get3A_73, %get3A_74, %get3A_75] {strides = array<i32>} : memref<3x32x16xf32, #tpu.memory_space<vmem>>, vector<1x1x16xf32>,
        %get3A_77 = vector.shape_cast %get3A_76 : vector<1x1x16xf32> to vector<16xf32>
        %get3A_78 = arith.index_cast %scan3A_59 : i32 to index
        %get3A_79 = arith.constant 0 : index
        %get3A_80 = tpu.vector_load %arg9[%get3A_78, %get3A_79] {strides = array<i32>} : memref<32x512xf32, #tpu.memory_space<vmem>>, vector<1x16xf32>,
        %get3A_81 = vector.shape_cast %get3A_80 : vector<1x16xf32> to vector<16xf32>
        %mul3A_82 = arith.mulf %get3A_65, %get3A_81 : vector<16xf32>
        %get3A_83 = arith.index_cast %scan3A_59 : i32 to index
        %get3A_84 = arith.constant 0 : index
        %get3A_85 = tpu.vector_load %arg10[%get3A_83, %get3A_84] {strides = array<i32>} : memref<32x512xf32, #tpu.memory_space<vmem>>, vector<1x16xf32>,
        %get3A_86 = vector.shape_cast %get3A_85 : vector<1x16xf32> to vector<16xf32>
        %mul3A_87 = arith.mulf %get3A_71, %get3A_86 : vector<16xf32>
        %add3A_88 = arith.addf %mul3A_82, %mul3A_87 : vector<16xf32>
        %get3A_89 = arith.index_cast %scan3A_59 : i32 to index
        %get3A_90 = arith.constant 0 : index
        %get3A_91 = tpu.vector_load %arg11[%get3A_89, %get3A_90] {strides = array<i32>} : memref<32x512xf32, #tpu.memory_space<vmem>>, vector<1x16xf32>,
        %get3A_92 = vector.shape_cast %get3A_91 : vector<1x16xf32> to vector<16xf32>
        %mul3A_93 = arith.mulf %get3A_77, %get3A_92 : vector<16xf32>
        %add3A_94 = arith.addf %add3A_88, %mul3A_93 : vector<16xf32>
        %swap3A = arith.index_cast %scan3A_59 : i32 to index
        %swap3A_95 = arith.constant 0 : index
        %swap3A_96 = tpu.vector_load %arg13[%swap3A, %swap3A_95] {strides = array<i32>} : memref<32x512xf32, #tpu.memory_space<vmem>>, vector<1x16xf32>,
        %swap3A_97 = vector.shape_cast %swap3A_96 : vector<1x16xf32> to vector<16xf32>
        %swap3A_98 = vector.shape_cast %add3A_94 : vector<16xf32> to vector<1x16xf32>
        tpu.vector_store %arg13[%swap3A, %swap3A_95], %swap3A_98 {strides = array<i32>} : memref<32x512xf32, #tpu.memory_space<vmem>>, vector<1x16xf32>,
        %get3A_99 = arith.index_cast %scan3A_59 : i32 to index
        %get3A_100 = arith.constant 16 : index
        %get3A_101 = tpu.vector_load %arg9[%get3A_99, %get3A_100] {strides = array<i32>} : memref<32x512xf32, #tpu.memory_space<vmem>>, vector<1x16xf32>,
        %get3A_102 = vector.shape_cast %get3A_101 : vector<1x16xf32> to vector<16xf32>
        %mul3A_103 = arith.mulf %get3A_65, %get3A_102 : vector<16xf32>
        %get3A_104 = arith.index_cast %scan3A_59 : i32 to index
        %get3A_105 = arith.constant 16 : index
        %get3A_106 = tpu.vector_load %arg10[%get3A_104, %get3A_105] {strides = array<i32>} : memref<32x512xf32, #tpu.memory_space<vmem>>, vector<1x16xf32>,
        %get3A_107 = vector.shape_cast %get3A_106 : vector<1x16xf32> to vector<16xf32>
        %mul3A_108 = arith.mulf %get3A_71, %get3A_107 : vector<16xf32>
        %add3A_109 = arith.addf %mul3A_103, %mul3A_108 : vector<16xf32>
        %get3A_110 = arith.index_cast %scan3A_59 : i32 to index
        %get3A_111 = arith.constant 16 : index
        %get3A_112 = tpu.vector_load %arg11[%get3A_110, %get3A_111] {strides = array<i32>} : memref<32x512xf32, #tpu.memory_space<vmem>>, vector<1x16xf32>,
        %get3A_113 = vector.shape_cast %get3A_112 : vector<1x16xf32> to vector<16xf32>
        %mul3A_114 = arith.mulf %get3A_77, %get3A_113 : vector<16xf32>
        %add3A_115 = arith.addf %add3A_109, %mul3A_114 : vector<16xf32>
        %swap3A_116 = arith.index_cast %scan3A_59 : i32 to index
        %swap3A_117 = arith.constant 16 : index
        %swap3A_118 = tpu.vector_load %arg13[%swap3A_116, %swap3A_117] {strides = array<i32>} : memref<32x512xf32, #tpu.memory_space<vmem>>, vector<1x16xf32>,
        %swap3A_119 = vector.shape_cast %swap3A_118 : vector<1x16xf32> to vector<16xf32>
        %swap3A_120 = vector.shape_cast %add3A_115 : vector<16xf32> to vector<1x16xf32>
        tpu.vector_store %arg13[%swap3A_116, %swap3A_117], %swap3A_120 {strides = array<i32>} : memref<32x512xf32, #tpu.memory_space<vmem>>, vector<1x16xf32>,
        %get3A_121 = arith.index_cast %scan3A_59 : i32 to index
        %get3A_122 = arith.constant 32 : index
        %get3A_123 = tpu.vector_load %arg9[%get3A_121, %get3A_122] {strides = array<i32>} : memref<32x512xf32, #tpu.memory_space<vmem>>, vector<1x16xf32>,
        %get3A_124 = vector.shape_cast %get3A_123 : vector<1x16xf32> to vector<16xf32>
        %mul3A_125 = arith.mulf %get3A_65, %get3A_124 : vector<16xf32>
        %get3A_126 = arith.index_cast %scan3A_59 : i32 to index
        %get3A_127 = arith.constant 32 : index
        %get3A_128 = tpu.vector_load %arg10[%get3A_126, %get3A_127] {strides = array<i32>} : memref<32x512xf32, #tpu.memory_space<vmem>>, vector<1x16xf32>,
        %get3A_129 = vector.shape_cast %get3A_128 : vector<1x16xf32> to vector<16xf32>
        %mul3A_130 = arith.mulf %get3A_71, %get3A_129 : vector<16xf32>
        %add3A_131 = arith.addf %mul3A_125, %mul3A_130 : vector<16xf32>
        %get3A_132 = arith.index_cast %scan3A_59 : i32 to index
        %get3A_133 = arith.constant 32 : index
        %get3A_134 = tpu.vector_load %arg11[%get3A_132, %get3A_133] {strides = array<i32>} : memref<32x512xf32, #tpu.memory_space<vmem>>, vector<1x16xf32>,
        %get3A_135 = vector.shape_cast %get3A_134 : vector<1x16xf32> to vector<16xf32>
        %mul3A_136 = arith.mulf %get3A_77, %get3A_135 : vector<16xf32>
        %add3A_137 = arith.addf %add3A_131, %mul3A_136 : vector<16xf32>
        %swap3A_138 = arith.index_cast %scan3A_59 : i32 to index
        %swap3A_139 = arith.constant 32 : index
        %swap3A_140 = tpu.vector_load %arg13[%swap3A_138, %swap3A_139] {strides = array<i32>} : memref<32x512xf32, #tpu.memory_space<vmem>>, vector<1x16xf32>,
        %swap3A_141 = vector.shape_cast %swap3A_140 : vector<1x16xf32> to vector<16xf32>
        %swap3A_142 = vector.shape_cast %add3A_137 : vector<16xf32> to vector<1x16xf32>
        tpu.vector_store %arg13[%swap3A_138, %swap3A_139], %swap3A_142 {strides = array<i32>} : memref<32x512xf32, #tpu.memory_space<vmem>>, vector<1x16xf32>,
        %get3A_143 = arith.index_cast %scan3A_59 : i32 to index
        %get3A_144 = arith.constant 48 : index
        %get3A_145 = tpu.vector_load %arg9[%get3A_143, %get3A_144] {strides = array<i32>} : memref<32x512xf32, #tpu.memory_space<vmem>>, vector<1x16xf32>,
        %get3A_146 = vector.shape_cast %get3A_145 : vector<1x16xf32> to vector<16xf32>
        %mul3A_147 = arith.mulf %get3A_65, %get3A_146 : vector<16xf32>
        %get3A_148 = arith.index_cast %scan3A_59 : i32 to index
        %get3A_149 = arith.constant 48 : index
        %get3A_150 = tpu.vector_load %arg10[%get3A_148, %get3A_149] {strides = array<i32>} : memref<32x512xf32, #tpu.memory_space<vmem>>, vector<1x16xf32>,
        %get3A_151 = vector.shape_cast %get3A_150 : vector<1x16xf32> to vector<16xf32>
        %mul3A_152 = arith.mulf %get3A_71, %get3A_151 : vector<16xf32>
        %add3A_153 = arith.addf %mul3A_147, %mul3A_152 : vector<16xf32>
        %get3A_154 = arith.index_cast %scan3A_59 : i32 to index
        %get3A_155 = arith.constant 48 : index
        %get3A_156 = tpu.vector_load %arg11[%get3A_154, %get3A_155] {strides = array<i32>} : memref<32x512xf32, #tpu.memory_space<vmem>>, vector<1x16xf32>,
        %get3A_157 = vector.shape_cast %get3A_156 : vector<1x16xf32> to vector<16xf32>
        %mul3A_158 = arith.mulf %get3A_77, %get3A_157 : vector<16xf32>
        %add3A_159 = arith.addf %add3A_153, %mul3A_158 : vector<16xf32>
        %swap3A_160 = arith.index_cast %scan3A_59 : i32 to index
        %swap3A_161 = arith.constant 48 : index
        %swap3A_162 = tpu.vector_load %arg13[%swap3A_160, %swap3A_161] {strides = array<i32>} : memref<32x512xf32, #tpu.memory_space<vmem>>, vector<1x16xf32>,
        %swap3A_163 = vector.shape_cast %swap3A_162 : vector<1x16xf32> to vector<16xf32>
        %swap3A_164 = vector.shape_cast %add3A_159 : vector<16xf32> to vector<1x16xf32>
        tpu.vector_store %arg13[%swap3A_160, %swap3A_161], %swap3A_164 {strides = array<i32>} : memref<32x512xf32, #tpu.memory_space<vmem>>, vector<1x16xf32>,
        %get3A_165 = arith.index_cast %scan3A_59 : i32 to index
        %get3A_166 = arith.constant 64 : index
        %get3A_167 = tpu.vector_load %arg9[%get3A_165, %get3A_166] {strides = array<i32>} : memref<32x512xf32, #tpu.memory_space<vmem>>, vector<1x16xf32>,
        %get3A_168 = vector.shape_cast %get3A_167 : vector<1x16xf32> to vector<16xf32>
        %mul3A_169 = arith.mulf %get3A_65, %get3A_168 : vector<16xf32>
        %get3A_170 = arith.index_cast %scan3A_59 : i32 to index
        %get3A_171 = arith.constant 64 : index
        %get3A_172 = tpu.vector_load %arg10[%get3A_170, %get3A_171] {strides = array<i32>} : memref<32x512xf32, #tpu.memory_space<vmem>>, vector<1x16xf32>,
        %get3A_173 = vector.shape_cast %get3A_172 : vector<1x16xf32> to vector<16xf32>
        %mul3A_174 = arith.mulf %get3A_71, %get3A_173 : vector<16xf32>
        %add3A_175 = arith.addf %mul3A_169, %mul3A_174 : vector<16xf32>
        %get3A_176 = arith.index_cast %scan3A_59 : i32 to index
        %get3A_177 = arith.constant 64 : index
        %get3A_178 = tpu.vector_load %arg11[%get3A_176, %get3A_177] {strides = array<i32>} : memref<32x512xf32, #tpu.memory_space<vmem>>, vector<1x16xf32>,
        %get3A_179 = vector.shape_cast %get3A_178 : vector<1x16xf32> to vector<16xf32>
        %mul3A_180 = arith.mulf %get3A_77, %get3A_179 : vector<16xf32>
        %add3A_181 = arith.addf %add3A_175, %mul3A_180 : vector<16xf32>
        %swap3A_182 = arith.index_cast %scan3A_59 : i32 to index
        %swap3A_183 = arith.constant 64 : index
        %swap3A_184 = tpu.vector_load %arg13[%swap3A_182, %swap3A_183] {strides = array<i32>} : memref<32x512xf32, #tpu.memory_space<vmem>>, vector<1x16xf32>,
        %swap3A_185 = vector.shape_cast %swap3A_184 : vector<1x16xf32> to vector<16xf32>
        %swap3A_186 = vector.shape_cast %add3A_181 : vector<16xf32> to vector<1x16xf32>
        tpu.vector_store %arg13[%swap3A_182, %swap3A_183], %swap3A_186 {strides = array<i32>} : memref<32x512xf32, #tpu.memory_space<vmem>>, vector<1x16xf32>,
        %get3A_187 = arith.index_cast %scan3A_59 : i32 to index
        %get3A_188 = arith.constant 80 : index
        %get3A_189 = tpu.vector_load %arg9[%get3A_187, %get3A_188] {strides = array<i32>} : memref<32x512xf32, #tpu.memory_space<vmem>>, vector<1x16xf32>,
        %get3A_190 = vector.shape_cast %get3A_189 : vector<1x16xf32> to vector<16xf32>
        %mul3A_191 = arith.mulf %get3A_65, %get3A_190 : vector<16xf32>
        %get3A_192 = arith.index_cast %scan3A_59 : i32 to index
        %get3A_193 = arith.constant 80 : index
        %get3A_194 = tpu.vector_load %arg10[%get3A_192, %get3A_193] {strides = array<i32>} : memref<32x512xf32, #tpu.memory_space<vmem>>, vector<1x16xf32>,
        %get3A_195 = vector.shape_cast %get3A_194 : vector<1x16xf32> to vector<16xf32>
        %mul3A_196 = arith.mulf %get3A_71, %get3A_195 : vector<16xf32>
        %add3A_197 = arith.addf %mul3A_191, %mul3A_196 : vector<16xf32>
        %get3A_198 = arith.index_cast %scan3A_59 : i32 to index
        %get3A_199 = arith.constant 80 : index
        %get3A_200 = tpu.vector_load %arg11[%get3A_198, %get3A_199] {strides = array<i32>} : memref<32x512xf32, #tpu.memory_space<vmem>>, vector<1x16xf32>,
        %get3A_201 = vector.shape_cast %get3A_200 : vector<1x16xf32> to vector<16xf32>
        %mul3A_202 = arith.mulf %get3A_77, %get3A_201 : vector<16xf32>
        %add3A_203 = arith.addf %add3A_197, %mul3A_202 : vector<16xf32>
        %swap3A_204 = arith.index_cast %scan3A_59 : i32 to index
        %swap3A_205 = arith.constant 80 : index
        %swap3A_206 = tpu.vector_load %arg13[%swap3A_204, %swap3A_205] {strides = array<i32>} : memref<32x512xf32, #tpu.memory_space<vmem>>, vector<1x16xf32>,
        %swap3A_207 = vector.shape_cast %swap3A_206 : vector<1x16xf32> to vector<16xf32>
        %swap3A_208 = vector.shape_cast %add3A_203 : vector<16xf32> to vector<1x16xf32>
        tpu.vector_store %arg13[%swap3A_204, %swap3A_205], %swap3A_208 {strides = array<i32>} : memref<32x512xf32, #tpu.memory_space<vmem>>, vector<1x16xf32>,
        %get3A_209 = arith.index_cast %scan3A_59 : i32 to index
        %get3A_210 = arith.constant 96 : index
        %get3A_211 = tpu.vector_load %arg9[%get3A_209, %get3A_210] {strides = array<i32>} : memref<32x512xf32, #tpu.memory_space<vmem>>, vector<1x16xf32>,
        %get3A_212 = vector.shape_cast %get3A_211 : vector<1x16xf32> to vector<16xf32>
        %mul3A_213 = arith.mulf %get3A_65, %get3A_212 : vector<16xf32>
        %get3A_214 = arith.index_cast %scan3A_59 : i32 to index
        %get3A_215 = arith.constant 96 : index
        %get3A_216 = tpu.vector_load %arg10[%get3A_214, %get3A_215] {strides = array<i32>} : memref<32x512xf32, #tpu.memory_space<vmem>>, vector<1x16xf32>,
        %get3A_217 = vector.shape_cast %get3A_216 : vector<1x16xf32> to vector<16xf32>
        %mul3A_218 = arith.mulf %get3A_71, %get3A_217 : vector<16xf32>
        %add3A_219 = arith.addf %mul3A_213, %mul3A_218 : vector<16xf32>
        %get3A_220 = arith.index_cast %scan3A_59 : i32 to index
        %get3A_221 = arith.constant 96 : index
        %get3A_222 = tpu.vector_load %arg11[%get3A_220, %get3A_221] {strides = array<i32>} : memref<32x512xf32, #tpu.memory_space<vmem>>, vector<1x16xf32>,
        %get3A_223 = vector.shape_cast %get3A_222 : vector<1x16xf32> to vector<16xf32>
        %mul3A_224 = arith.mulf %get3A_77, %get3A_223 : vector<16xf32>
        %add3A_225 = arith.addf %add3A_219, %mul3A_224 : vector<16xf32>
        %swap3A_226 = arith.index_cast %scan3A_59 : i32 to index
        %swap3A_227 = arith.constant 96 : index
        %swap3A_228 = tpu.vector_load %arg13[%swap3A_226, %swap3A_227] {strides = array<i32>} : memref<32x512xf32, #tpu.memory_space<vmem>>, vector<1x16xf32>,
        %swap3A_229 = vector.shape_cast %swap3A_228 : vector<1x16xf32> to vector<16xf32>
        %swap3A_230 = vector.shape_cast %add3A_225 : vector<16xf32> to vector<1x16xf32>
        tpu.vector_store %arg13[%swap3A_226, %swap3A_227], %swap3A_230 {strides = array<i32>} : memref<32x512xf32, #tpu.memory_space<vmem>>, vector<1x16xf32>,
        %get3A_231 = arith.index_cast %scan3A_59 : i32 to index
        %get3A_232 = arith.constant 112 : index
        %get3A_233 = tpu.vector_load %arg9[%get3A_231, %get3A_232] {strides = array<i32>} : memref<32x512xf32, #tpu.memory_space<vmem>>, vector<1x16xf32>,
        %get3A_234 = vector.shape_cast %get3A_233 : vector<1x16xf32> to vector<16xf32>
        %mul3A_235 = arith.mulf %get3A_65, %get3A_234 : vector<16xf32>
        %get3A_236 = arith.index_cast %scan3A_59 : i32 to index
        %get3A_237 = arith.constant 112 : index
        %get3A_238 = tpu.vector_load %arg10[%get3A_236, %get3A_237] {strides = array<i32>} : memref<32x512xf32, #tpu.memory_space<vmem>>, vector<1x16xf32>,
        %get3A_239 = vector.shape_cast %get3A_238 : vector<1x16xf32> to vector<16xf32>
        %mul3A_240 = arith.mulf %get3A_71, %get3A_239 : vector<16xf32>
        %add3A_241 = arith.addf %mul3A_235, %mul3A_240 : vector<16xf32>
        %get3A_242 = arith.index_cast %scan3A_59 : i32 to index
        %get3A_243 = arith.constant 112 : index
        %get3A_244 = tpu.vector_load %arg11[%get3A_242, %get3A_243] {strides = array<i32>} : memref<32x512xf32, #tpu.memory_space<vmem>>, vector<1x16xf32>,
        %get3A_245 = vector.shape_cast %get3A_244 : vector<1x16xf32> to vector<16xf32>
        %mul3A_246 = arith.mulf %get3A_77, %get3A_245 : vector<16xf32>
        %add3A_247 = arith.addf %add3A_241, %mul3A_246 : vector<16xf32>
        %swap3A_248 = arith.index_cast %scan3A_59 : i32 to index
        %swap3A_249 = arith.constant 112 : index
        %swap3A_250 = tpu.vector_load %arg13[%swap3A_248, %swap3A_249] {strides = array<i32>} : memref<32x512xf32, #tpu.memory_space<vmem>>, vector<1x16xf32>,
        %swap3A_251 = vector.shape_cast %swap3A_250 : vector<1x16xf32> to vector<16xf32>
        %swap3A_252 = vector.shape_cast %add3A_247 : vector<16xf32> to vector<1x16xf32>
        tpu.vector_store %arg13[%swap3A_248, %swap3A_249], %swap3A_252 {strides = array<i32>} : memref<32x512xf32, #tpu.memory_space<vmem>>, vector<1x16xf32>,
        %get3A_253 = arith.index_cast %scan3A_59 : i32 to index
        %get3A_254 = arith.constant 128 : index
        %get3A_255 = tpu.vector_load %arg9[%get3A_253, %get3A_254] {strides = array<i32>} : memref<32x512xf32, #tpu.memory_space<vmem>>, vector<1x16xf32>,
        %get3A_256 = vector.shape_cast %get3A_255 : vector<1x16xf32> to vector<16xf32>
        %mul3A_257 = arith.mulf %get3A_65, %get3A_256 : vector<16xf32>
        %get3A_258 = arith.index_cast %scan3A_59 : i32 to index
        %get3A_259 = arith.constant 128 : index
        %get3A_260 = tpu.vector_load %arg10[%get3A_258, %get3A_259] {strides = array<i32>} : memref<32x512xf32, #tpu.memory_space<vmem>>, vector<1x16xf32>,
        %get3A_261 = vector.shape_cast %get3A_260 : vector<1x16xf32> to vector<16xf32>
        %mul3A_262 = arith.mulf %get3A_71, %get3A_261 : vector<16xf32>
        %add3A_263 = arith.addf %mul3A_257, %mul3A_262 : vector<16xf32>
        %get3A_264 = arith.index_cast %scan3A_59 : i32 to index
        %get3A_265 = arith.constant 128 : index
        %get3A_266 = tpu.vector_load %arg11[%get3A_264, %get3A_265] {strides = array<i32>} : memref<32x512xf32, #tpu.memory_space<vmem>>, vector<1x16xf32>,
        %get3A_267 = vector.shape_cast %get3A_266 : vector<1x16xf32> to vector<16xf32>
        %mul3A_268 = arith.mulf %get3A_77, %get3A_267 : vector<16xf32>
        %add3A_269 = arith.addf %add3A_263, %mul3A_268 : vector<16xf32>
        %swap3A_270 = arith.index_cast %scan3A_59 : i32 to index
        %swap3A_271 = arith.constant 128 : index
        %swap3A_272 = tpu.vector_load %arg13[%swap3A_270, %swap3A_271] {strides = array<i32>} : memref<32x512xf32, #tpu.memory_space<vmem>>, vector<1x16xf32>,
        %swap3A_273 = vector.shape_cast %swap3A_272 : vector<1x16xf32> to vector<16xf32>
        %swap3A_274 = vector.shape_cast %add3A_269 : vector<16xf32> to vector<1x16xf32>
        tpu.vector_store %arg13[%swap3A_270, %swap3A_271], %swap3A_274 {strides = array<i32>} : memref<32x512xf32, #tpu.memory_space<vmem>>, vector<1x16xf32>,
        %get3A_275 = arith.index_cast %scan3A_59 : i32 to index
        %get3A_276 = arith.constant 144 : index
        %get3A_277 = tpu.vector_load %arg9[%get3A_275, %get3A_276] {strides = array<i32>} : memref<32x512xf32, #tpu.memory_space<vmem>>, vector<1x16xf32>,
        %get3A_278 = vector.shape_cast %get3A_277 : vector<1x16xf32> to vector<16xf32>
        %mul3A_279 = arith.mulf %get3A_65, %get3A_278 : vector<16xf32>
        %get3A_280 = arith.index_cast %scan3A_59 : i32 to index
        %get3A_281 = arith.constant 144 : index
        %get3A_282 = tpu.vector_load %arg10[%get3A_280, %get3A_281] {strides = array<i32>} : memref<32x512xf32, #tpu.memory_space<vmem>>, vector<1x16xf32>,
        %get3A_283 = vector.shape_cast %get3A_282 : vector<1x16xf32> to vector<16xf32>
        %mul3A_284 = arith.mulf %get3A_71, %get3A_283 : vector<16xf32>
        %add3A_285 = arith.addf %mul3A_279, %mul3A_284 : vector<16xf32>
        %get3A_286 = arith.index_cast %scan3A_59 : i32 to index
        %get3A_287 = arith.constant 144 : index
        %get3A_288 = tpu.vector_load %arg11[%get3A_286, %get3A_287] {strides = array<i32>} : memref<32x512xf32, #tpu.memory_space<vmem>>, vector<1x16xf32>,
        %get3A_289 = vector.shape_cast %get3A_288 : vector<1x16xf32> to vector<16xf32>
        %mul3A_290 = arith.mulf %get3A_77, %get3A_289 : vector<16xf32>
        %add3A_291 = arith.addf %add3A_285, %mul3A_290 : vector<16xf32>
        %swap3A_292 = arith.index_cast %scan3A_59 : i32 to index
        %swap3A_293 = arith.constant 144 : index
        %swap3A_294 = tpu.vector_load %arg13[%swap3A_292, %swap3A_293] {strides = array<i32>} : memref<32x512xf32, #tpu.memory_space<vmem>>, vector<1x16xf32>,
        %swap3A_295 = vector.shape_cast %swap3A_294 : vector<1x16xf32> to vector<16xf32>
        %swap3A_296 = vector.shape_cast %add3A_291 : vector<16xf32> to vector<1x16xf32>
        tpu.vector_store %arg13[%swap3A_292, %swap3A_293], %swap3A_296 {strides = array<i32>} : memref<32x512xf32, #tpu.memory_space<vmem>>, vector<1x16xf32>,
        %get3A_297 = arith.index_cast %scan3A_59 : i32 to index
        %get3A_298 = arith.constant 160 : index
        %get3A_299 = tpu.vector_load %arg9[%get3A_297, %get3A_298] {strides = array<i32>} : memref<32x512xf32, #tpu.memory_space<vmem>>, vector<1x16xf32>,
        %get3A_300 = vector.shape_cast %get3A_299 : vector<1x16xf32> to vector<16xf32>
        %mul3A_301 = arith.mulf %get3A_65, %get3A_300 : vector<16xf32>
        %get3A_302 = arith.index_cast %scan3A_59 : i32 to index
        %get3A_303 = arith.constant 160 : index
        %get3A_304 = tpu.vector_load %arg10[%get3A_302, %get3A_303] {strides = array<i32>} : memref<32x512xf32, #tpu.memory_space<vmem>>, vector<1x16xf32>,
        %get3A_305 = vector.shape_cast %get3A_304 : vector<1x16xf32> to vector<16xf32>
        %mul3A_306 = arith.mulf %get3A_71, %get3A_305 : vector<16xf32>
        %add3A_307 = arith.addf %mul3A_301, %mul3A_306 : vector<16xf32>
        %get3A_308 = arith.index_cast %scan3A_59 : i32 to index
        %get3A_309 = arith.constant 160 : index
        %get3A_310 = tpu.vector_load %arg11[%get3A_308, %get3A_309] {strides = array<i32>} : memref<32x512xf32, #tpu.memory_space<vmem>>, vector<1x16xf32>,
        %get3A_311 = vector.shape_cast %get3A_310 : vector<1x16xf32> to vector<16xf32>
        %mul3A_312 = arith.mulf %get3A_77, %get3A_311 : vector<16xf32>
        %add3A_313 = arith.addf %add3A_307, %mul3A_312 : vector<16xf32>
        %swap3A_314 = arith.index_cast %scan3A_59 : i32 to index
        %swap3A_315 = arith.constant 160 : index
        %swap3A_316 = tpu.vector_load %arg13[%swap3A_314, %swap3A_315] {strides = array<i32>} : memref<32x512xf32, #tpu.memory_space<vmem>>, vector<1x16xf32>,
        %swap3A_317 = vector.shape_cast %swap3A_316 : vector<1x16xf32> to vector<16xf32>
        %swap3A_318 = vector.shape_cast %add3A_313 : vector<16xf32> to vector<1x16xf32>
        tpu.vector_store %arg13[%swap3A_314, %swap3A_315], %swap3A_318 {strides = array<i32>} : memref<32x512xf32, #tpu.memory_space<vmem>>, vector<1x16xf32>,
        %get3A_319 = arith.index_cast %scan3A_59 : i32 to index
        %get3A_320 = arith.constant 176 : index
        %get3A_321 = tpu.vector_load %arg9[%get3A_319, %get3A_320] {strides = array<i32>} : memref<32x512xf32, #tpu.memory_space<vmem>>, vector<1x16xf32>,
        %get3A_322 = vector.shape_cast %get3A_321 : vector<1x16xf32> to vector<16xf32>
        %mul3A_323 = arith.mulf %get3A_65, %get3A_322 : vector<16xf32>
        %get3A_324 = arith.index_cast %scan3A_59 : i32 to index
        %get3A_325 = arith.constant 176 : index
        %get3A_326 = tpu.vector_load %arg10[%get3A_324, %get3A_325] {strides = array<i32>} : memref<32x512xf32, #tpu.memory_space<vmem>>, vector<1x16xf32>,
        %get3A_327 = vector.shape_cast %get3A_326 : vector<1x16xf32> to vector<16xf32>
        %mul3A_328 = arith.mulf %get3A_71, %get3A_327 : vector<16xf32>
        %add3A_329 = arith.addf %mul3A_323, %mul3A_328 : vector<16xf32>
        %get3A_330 = arith.index_cast %scan3A_59 : i32 to index
        %get3A_331 = arith.constant 176 : index
        %get3A_332 = tpu.vector_load %arg11[%get3A_330, %get3A_331] {strides = array<i32>} : memref<32x512xf32, #tpu.memory_space<vmem>>, vector<1x16xf32>,
        %get3A_333 = vector.shape_cast %get3A_332 : vector<1x16xf32> to vector<16xf32>
        %mul3A_334 = arith.mulf %get3A_77, %get3A_333 : vector<16xf32>
        %add3A_335 = arith.addf %add3A_329, %mul3A_334 : vector<16xf32>
        %swap3A_336 = arith.index_cast %scan3A_59 : i32 to index
        %swap3A_337 = arith.constant 176 : index
        %swap3A_338 = tpu.vector_load %arg13[%swap3A_336, %swap3A_337] {strides = array<i32>} : memref<32x512xf32, #tpu.memory_space<vmem>>, vector<1x16xf32>,
        %swap3A_339 = vector.shape_cast %swap3A_338 : vector<1x16xf32> to vector<16xf32>
        %swap3A_340 = vector.shape_cast %add3A_335 : vector<16xf32> to vector<1x16xf32>
        tpu.vector_store %arg13[%swap3A_336, %swap3A_337], %swap3A_340 {strides = array<i32>} : memref<32x512xf32, #tpu.memory_space<vmem>>, vector<1x16xf32>,
        %get3A_341 = arith.index_cast %scan3A_59 : i32 to index
        %get3A_342 = arith.constant 192 : index
        %get3A_343 = tpu.vector_load %arg9[%get3A_341, %get3A_342] {strides = array<i32>} : memref<32x512xf32, #tpu.memory_space<vmem>>, vector<1x16xf32>,
        %get3A_344 = vector.shape_cast %get3A_343 : vector<1x16xf32> to vector<16xf32>
        %mul3A_345 = arith.mulf %get3A_65, %get3A_344 : vector<16xf32>
        %get3A_346 = arith.index_cast %scan3A_59 : i32 to index
        %get3A_347 = arith.constant 192 : index
        %get3A_348 = tpu.vector_load %arg10[%get3A_346, %get3A_347] {strides = array<i32>} : memref<32x512xf32, #tpu.memory_space<vmem>>, vector<1x16xf32>,
        %get3A_349 = vector.shape_cast %get3A_348 : vector<1x16xf32> to vector<16xf32>
        %mul3A_350 = arith.mulf %get3A_71, %get3A_349 : vector<16xf32>
        %add3A_351 = arith.addf %mul3A_345, %mul3A_350 : vector<16xf32>
        %get3A_352 = arith.index_cast %scan3A_59 : i32 to index
        %get3A_353 = arith.constant 192 : index
        %get3A_354 = tpu.vector_load %arg11[%get3A_352, %get3A_353] {strides = array<i32>} : memref<32x512xf32, #tpu.memory_space<vmem>>, vector<1x16xf32>,
        %get3A_355 = vector.shape_cast %get3A_354 : vector<1x16xf32> to vector<16xf32>
        %mul3A_356 = arith.mulf %get3A_77, %get3A_355 : vector<16xf32>
        %add3A_357 = arith.addf %add3A_351, %mul3A_356 : vector<16xf32>
        %swap3A_358 = arith.index_cast %scan3A_59 : i32 to index
        %swap3A_359 = arith.constant 192 : index
        %swap3A_360 = tpu.vector_load %arg13[%swap3A_358, %swap3A_359] {strides = array<i32>} : memref<32x512xf32, #tpu.memory_space<vmem>>, vector<1x16xf32>,
        %swap3A_361 = vector.shape_cast %swap3A_360 : vector<1x16xf32> to vector<16xf32>
        %swap3A_362 = vector.shape_cast %add3A_357 : vector<16xf32> to vector<1x16xf32>
        tpu.vector_store %arg13[%swap3A_358, %swap3A_359], %swap3A_362 {strides = array<i32>} : memref<32x512xf32, #tpu.memory_space<vmem>>, vector<1x16xf32>,
        %get3A_363 = arith.index_cast %scan3A_59 : i32 to index
        %get3A_364 = arith.constant 208 : index
        %get3A_365 = tpu.vector_load %arg9[%get3A_363, %get3A_364] {strides = array<i32>} : memref<32x512xf32, #tpu.memory_space<vmem>>, vector<1x16xf32>,
        %get3A_366 = vector.shape_cast %get3A_365 : vector<1x16xf32> to vector<16xf32>
        %mul3A_367 = arith.mulf %get3A_65, %get3A_366 : vector<16xf32>
        %get3A_368 = arith.index_cast %scan3A_59 : i32 to index
        %get3A_369 = arith.constant 208 : index
        %get3A_370 = tpu.vector_load %arg10[%get3A_368, %get3A_369] {strides = array<i32>} : memref<32x512xf32, #tpu.memory_space<vmem>>, vector<1x16xf32>,
        %get3A_371 = vector.shape_cast %get3A_370 : vector<1x16xf32> to vector<16xf32>
        %mul3A_372 = arith.mulf %get3A_71, %get3A_371 : vector<16xf32>
        %add3A_373 = arith.addf %mul3A_367, %mul3A_372 : vector<16xf32>
        %get3A_374 = arith.index_cast %scan3A_59 : i32 to index
        %get3A_375 = arith.constant 208 : index
        %get3A_376 = tpu.vector_load %arg11[%get3A_374, %get3A_375] {strides = array<i32>} : memref<32x512xf32, #tpu.memory_space<vmem>>, vector<1x16xf32>,
        %get3A_377 = vector.shape_cast %get3A_376 : vector<1x16xf32> to vector<16xf32>
        %mul3A_378 = arith.mulf %get3A_77, %get3A_377 : vector<16xf32>
        %add3A_379 = arith.addf %add3A_373, %mul3A_378 : vector<16xf32>
        %swap3A_380 = arith.index_cast %scan3A_59 : i32 to index
        %swap3A_381 = arith.constant 208 : index
        %swap3A_382 = tpu.vector_load %arg13[%swap3A_380, %swap3A_381] {strides = array<i32>} : memref<32x512xf32, #tpu.memory_space<vmem>>, vector<1x16xf32>,
        %swap3A_383 = vector.shape_cast %swap3A_382 : vector<1x16xf32> to vector<16xf32>
        %swap3A_384 = vector.shape_cast %add3A_379 : vector<16xf32> to vector<1x16xf32>
        tpu.vector_store %arg13[%swap3A_380, %swap3A_381], %swap3A_384 {strides = array<i32>} : memref<32x512xf32, #tpu.memory_space<vmem>>, vector<1x16xf32>,
        %get3A_385 = arith.index_cast %scan3A_59 : i32 to index
        %get3A_386 = arith.constant 224 : index
        %get3A_387 = tpu.vector_load %arg9[%get3A_385, %get3A_386] {strides = array<i32>} : memref<32x512xf32, #tpu.memory_space<vmem>>, vector<1x16xf32>,
        %get3A_388 = vector.shape_cast %get3A_387 : vector<1x16xf32> to vector<16xf32>
        %mul3A_389 = arith.mulf %get3A_65, %get3A_388 : vector<16xf32>
        %get3A_390 = arith.index_cast %scan3A_59 : i32 to index
        %get3A_391 = arith.constant 224 : index
        %get3A_392 = tpu.vector_load %arg10[%get3A_390, %get3A_391] {strides = array<i32>} : memref<32x512xf32, #tpu.memory_space<vmem>>, vector<1x16xf32>,
        %get3A_393 = vector.shape_cast %get3A_392 : vector<1x16xf32> to vector<16xf32>
        %mul3A_394 = arith.mulf %get3A_71, %get3A_393 : vector<16xf32>
        %add3A_395 = arith.addf %mul3A_389, %mul3A_394 : vector<16xf32>
        %get3A_396 = arith.index_cast %scan3A_59 : i32 to index
        %get3A_397 = arith.constant 224 : index
        %get3A_398 = tpu.vector_load %arg11[%get3A_396, %get3A_397] {strides = array<i32>} : memref<32x512xf32, #tpu.memory_space<vmem>>, vector<1x16xf32>,
        %get3A_399 = vector.shape_cast %get3A_398 : vector<1x16xf32> to vector<16xf32>
        %mul3A_400 = arith.mulf %get3A_77, %get3A_399 : vector<16xf32>
        %add3A_401 = arith.addf %add3A_395, %mul3A_400 : vector<16xf32>
        %swap3A_402 = arith.index_cast %scan3A_59 : i32 to index
        %swap3A_403 = arith.constant 224 : index
        %swap3A_404 = tpu.vector_load %arg13[%swap3A_402, %swap3A_403] {strides = array<i32>} : memref<32x512xf32, #tpu.memory_space<vmem>>, vector<1x16xf32>,
        %swap3A_405 = vector.shape_cast %swap3A_404 : vector<1x16xf32> to vector<16xf32>
        %swap3A_406 = vector.shape_cast %add3A_401 : vector<16xf32> to vector<1x16xf32>
        tpu.vector_store %arg13[%swap3A_402, %swap3A_403], %swap3A_406 {strides = array<i32>} : memref<32x512xf32, #tpu.memory_space<vmem>>, vector<1x16xf32>,
        %get3A_407 = arith.index_cast %scan3A_59 : i32 to index
        %get3A_408 = arith.constant 240 : index
        %get3A_409 = tpu.vector_load %arg9[%get3A_407, %get3A_408] {strides = array<i32>} : memref<32x512xf32, #tpu.memory_space<vmem>>, vector<1x16xf32>,
        %get3A_410 = vector.shape_cast %get3A_409 : vector<1x16xf32> to vector<16xf32>
        %mul3A_411 = arith.mulf %get3A_65, %get3A_410 : vector<16xf32>
        %get3A_412 = arith.index_cast %scan3A_59 : i32 to index
        %get3A_413 = arith.constant 240 : index
        %get3A_414 = tpu.vector_load %arg10[%get3A_412, %get3A_413] {strides = array<i32>} : memref<32x512xf32, #tpu.memory_space<vmem>>, vector<1x16xf32>,
        %get3A_415 = vector.shape_cast %get3A_414 : vector<1x16xf32> to vector<16xf32>
        %mul3A_416 = arith.mulf %get3A_71, %get3A_415 : vector<16xf32>
        %add3A_417 = arith.addf %mul3A_411, %mul3A_416 : vector<16xf32>
        %get3A_418 = arith.index_cast %scan3A_59 : i32 to index
        %get3A_419 = arith.constant 240 : index
        %get3A_420 = tpu.vector_load %arg11[%get3A_418, %get3A_419] {strides = array<i32>} : memref<32x512xf32, #tpu.memory_space<vmem>>, vector<1x16xf32>,
        %get3A_421 = vector.shape_cast %get3A_420 : vector<1x16xf32> to vector<16xf32>
        %mul3A_422 = arith.mulf %get3A_77, %get3A_421 : vector<16xf32>
        %add3A_423 = arith.addf %add3A_417, %mul3A_422 : vector<16xf32>
        %swap3A_424 = arith.index_cast %scan3A_59 : i32 to index
        %swap3A_425 = arith.constant 240 : index
        %swap3A_426 = tpu.vector_load %arg13[%swap3A_424, %swap3A_425] {strides = array<i32>} : memref<32x512xf32, #tpu.memory_space<vmem>>, vector<1x16xf32>,
        %swap3A_427 = vector.shape_cast %swap3A_426 : vector<1x16xf32> to vector<16xf32>
        %swap3A_428 = vector.shape_cast %add3A_423 : vector<16xf32> to vector<1x16xf32>
        tpu.vector_store %arg13[%swap3A_424, %swap3A_425], %swap3A_428 {strides = array<i32>} : memref<32x512xf32, #tpu.memory_space<vmem>>, vector<1x16xf32>,
        %get3A_429 = arith.index_cast %scan3A_59 : i32 to index
        %get3A_430 = arith.constant 256 : index
        %get3A_431 = tpu.vector_load %arg9[%get3A_429, %get3A_430] {strides = array<i32>} : memref<32x512xf32, #tpu.memory_space<vmem>>, vector<1x16xf32>,
        %get3A_432 = vector.shape_cast %get3A_431 : vector<1x16xf32> to vector<16xf32>
        %mul3A_433 = arith.mulf %get3A_65, %get3A_432 : vector<16xf32>
        %get3A_434 = arith.index_cast %scan3A_59 : i32 to index
        %get3A_435 = arith.constant 256 : index
        %get3A_436 = tpu.vector_load %arg10[%get3A_434, %get3A_435] {strides = array<i32>} : memref<32x512xf32, #tpu.memory_space<vmem>>, vector<1x16xf32>,
        %get3A_437 = vector.shape_cast %get3A_436 : vector<1x16xf32> to vector<16xf32>
        %mul3A_438 = arith.mulf %get3A_71, %get3A_437 : vector<16xf32>
        %add3A_439 = arith.addf %mul3A_433, %mul3A_438 : vector<16xf32>
        %get3A_440 = arith.index_cast %scan3A_59 : i32 to index
        %get3A_441 = arith.constant 256 : index
        %get3A_442 = tpu.vector_load %arg11[%get3A_440, %get3A_441] {strides = array<i32>} : memref<32x512xf32, #tpu.memory_space<vmem>>, vector<1x16xf32>,
        %get3A_443 = vector.shape_cast %get3A_442 : vector<1x16xf32> to vector<16xf32>
        %mul3A_444 = arith.mulf %get3A_77, %get3A_443 : vector<16xf32>
        %add3A_445 = arith.addf %add3A_439, %mul3A_444 : vector<16xf32>
        %swap3A_446 = arith.index_cast %scan3A_59 : i32 to index
        %swap3A_447 = arith.constant 256 : index
        %swap3A_448 = tpu.vector_load %arg13[%swap3A_446, %swap3A_447] {strides = array<i32>} : memref<32x512xf32, #tpu.memory_space<vmem>>, vector<1x16xf32>,
        %swap3A_449 = vector.shape_cast %swap3A_448 : vector<1x16xf32> to vector<16xf32>
        %swap3A_450 = vector.shape_cast %add3A_445 : vector<16xf32> to vector<1x16xf32>
        tpu.vector_store %arg13[%swap3A_446, %swap3A_447], %swap3A_450 {strides = array<i32>} : memref<32x512xf32, #tpu.memory_space<vmem>>, vector<1x16xf32>,
        %get3A_451 = arith.index_cast %scan3A_59 : i32 to index
        %get3A_452 = arith.constant 272 : index
        %get3A_453 = tpu.vector_load %arg9[%get3A_451, %get3A_452] {strides = array<i32>} : memref<32x512xf32, #tpu.memory_space<vmem>>, vector<1x16xf32>,
        %get3A_454 = vector.shape_cast %get3A_453 : vector<1x16xf32> to vector<16xf32>
        %mul3A_455 = arith.mulf %get3A_65, %get3A_454 : vector<16xf32>
        %get3A_456 = arith.index_cast %scan3A_59 : i32 to index
        %get3A_457 = arith.constant 272 : index
        %get3A_458 = tpu.vector_load %arg10[%get3A_456, %get3A_457] {strides = array<i32>} : memref<32x512xf32, #tpu.memory_space<vmem>>, vector<1x16xf32>,
        %get3A_459 = vector.shape_cast %get3A_458 : vector<1x16xf32> to vector<16xf32>
        %mul3A_460 = arith.mulf %get3A_71, %get3A_459 : vector<16xf32>
        %add3A_461 = arith.addf %mul3A_455, %mul3A_460 : vector<16xf32>
        %get3A_462 = arith.index_cast %scan3A_59 : i32 to index
        %get3A_463 = arith.constant 272 : index
        %get3A_464 = tpu.vector_load %arg11[%get3A_462, %get3A_463] {strides = array<i32>} : memref<32x512xf32, #tpu.memory_space<vmem>>, vector<1x16xf32>,
        %get3A_465 = vector.shape_cast %get3A_464 : vector<1x16xf32> to vector<16xf32>
        %mul3A_466 = arith.mulf %get3A_77, %get3A_465 : vector<16xf32>
        %add3A_467 = arith.addf %add3A_461, %mul3A_466 : vector<16xf32>
        %swap3A_468 = arith.index_cast %scan3A_59 : i32 to index
        %swap3A_469 = arith.constant 272 : index
        %swap3A_470 = tpu.vector_load %arg13[%swap3A_468, %swap3A_469] {strides = array<i32>} : memref<32x512xf32, #tpu.memory_space<vmem>>, vector<1x16xf32>,
        %swap3A_471 = vector.shape_cast %swap3A_470 : vector<1x16xf32> to vector<16xf32>
        %swap3A_472 = vector.shape_cast %add3A_467 : vector<16xf32> to vector<1x16xf32>
        tpu.vector_store %arg13[%swap3A_468, %swap3A_469], %swap3A_472 {strides = array<i32>} : memref<32x512xf32, #tpu.memory_space<vmem>>, vector<1x16xf32>,
        %get3A_473 = arith.index_cast %scan3A_59 : i32 to index
        %get3A_474 = arith.constant 288 : index
        %get3A_475 = tpu.vector_load %arg9[%get3A_473, %get3A_474] {strides = array<i32>} : memref<32x512xf32, #tpu.memory_space<vmem>>, vector<1x16xf32>,
        %get3A_476 = vector.shape_cast %get3A_475 : vector<1x16xf32> to vector<16xf32>
        %mul3A_477 = arith.mulf %get3A_65, %get3A_476 : vector<16xf32>
        %get3A_478 = arith.index_cast %scan3A_59 : i32 to index
        %get3A_479 = arith.constant 288 : index
        %get3A_480 = tpu.vector_load %arg10[%get3A_478, %get3A_479] {strides = array<i32>} : memref<32x512xf32, #tpu.memory_space<vmem>>, vector<1x16xf32>,
        %get3A_481 = vector.shape_cast %get3A_480 : vector<1x16xf32> to vector<16xf32>
        %mul3A_482 = arith.mulf %get3A_71, %get3A_481 : vector<16xf32>
        %add3A_483 = arith.addf %mul3A_477, %mul3A_482 : vector<16xf32>
        %get3A_484 = arith.index_cast %scan3A_59 : i32 to index
        %get3A_485 = arith.constant 288 : index
        %get3A_486 = tpu.vector_load %arg11[%get3A_484, %get3A_485] {strides = array<i32>} : memref<32x512xf32, #tpu.memory_space<vmem>>, vector<1x16xf32>,
        %get3A_487 = vector.shape_cast %get3A_486 : vector<1x16xf32> to vector<16xf32>
        %mul3A_488 = arith.mulf %get3A_77, %get3A_487 : vector<16xf32>
        %add3A_489 = arith.addf %add3A_483, %mul3A_488 : vector<16xf32>
        %swap3A_490 = arith.index_cast %scan3A_59 : i32 to index
        %swap3A_491 = arith.constant 288 : index
        %swap3A_492 = tpu.vector_load %arg13[%swap3A_490, %swap3A_491] {strides = array<i32>} : memref<32x512xf32, #tpu.memory_space<vmem>>, vector<1x16xf32>,
        %swap3A_493 = vector.shape_cast %swap3A_492 : vector<1x16xf32> to vector<16xf32>
        %swap3A_494 = vector.shape_cast %add3A_489 : vector<16xf32> to vector<1x16xf32>
        tpu.vector_store %arg13[%swap3A_490, %swap3A_491], %swap3A_494 {strides = array<i32>} : memref<32x512xf32, #tpu.memory_space<vmem>>, vector<1x16xf32>,
        %get3A_495 = arith.index_cast %scan3A_59 : i32 to index
        %get3A_496 = arith.constant 304 : index
        %get3A_497 = tpu.vector_load %arg9[%get3A_495, %get3A_496] {strides = array<i32>} : memref<32x512xf32, #tpu.memory_space<vmem>>, vector<1x16xf32>,
        %get3A_498 = vector.shape_cast %get3A_497 : vector<1x16xf32> to vector<16xf32>
        %mul3A_499 = arith.mulf %get3A_65, %get3A_498 : vector<16xf32>
        %get3A_500 = arith.index_cast %scan3A_59 : i32 to index
        %get3A_501 = arith.constant 304 : index
        %get3A_502 = tpu.vector_load %arg10[%get3A_500, %get3A_501] {strides = array<i32>} : memref<32x512xf32, #tpu.memory_space<vmem>>, vector<1x16xf32>,
        %get3A_503 = vector.shape_cast %get3A_502 : vector<1x16xf32> to vector<16xf32>
        %mul3A_504 = arith.mulf %get3A_71, %get3A_503 : vector<16xf32>
        %add3A_505 = arith.addf %mul3A_499, %mul3A_504 : vector<16xf32>
        %get3A_506 = arith.index_cast %scan3A_59 : i32 to index
        %get3A_507 = arith.constant 304 : index
        %get3A_508 = tpu.vector_load %arg11[%get3A_506, %get3A_507] {strides = array<i32>} : memref<32x512xf32, #tpu.memory_space<vmem>>, vector<1x16xf32>,
        %get3A_509 = vector.shape_cast %get3A_508 : vector<1x16xf32> to vector<16xf32>
        %mul3A_510 = arith.mulf %get3A_77, %get3A_509 : vector<16xf32>
        %add3A_511 = arith.addf %add3A_505, %mul3A_510 : vector<16xf32>
        %swap3A_512 = arith.index_cast %scan3A_59 : i32 to index
        %swap3A_513 = arith.constant 304 : index
        %swap3A_514 = tpu.vector_load %arg13[%swap3A_512, %swap3A_513] {strides = array<i32>} : memref<32x512xf32, #tpu.memory_space<vmem>>, vector<1x16xf32>,
        %swap3A_515 = vector.shape_cast %swap3A_514 : vector<1x16xf32> to vector<16xf32>
        %swap3A_516 = vector.shape_cast %add3A_511 : vector<16xf32> to vector<1x16xf32>
        tpu.vector_store %arg13[%swap3A_512, %swap3A_513], %swap3A_516 {strides = array<i32>} : memref<32x512xf32, #tpu.memory_space<vmem>>, vector<1x16xf32>,
        %get3A_517 = arith.index_cast %scan3A_59 : i32 to index
        %get3A_518 = arith.constant 320 : index
        %get3A_519 = tpu.vector_load %arg9[%get3A_517, %get3A_518] {strides = array<i32>} : memref<32x512xf32, #tpu.memory_space<vmem>>, vector<1x16xf32>,
        %get3A_520 = vector.shape_cast %get3A_519 : vector<1x16xf32> to vector<16xf32>
        %mul3A_521 = arith.mulf %get3A_65, %get3A_520 : vector<16xf32>
        %get3A_522 = arith.index_cast %scan3A_59 : i32 to index
        %get3A_523 = arith.constant 320 : index
        %get3A_524 = tpu.vector_load %arg10[%get3A_522, %get3A_523] {strides = array<i32>} : memref<32x512xf32, #tpu.memory_space<vmem>>, vector<1x16xf32>,
        %get3A_525 = vector.shape_cast %get3A_524 : vector<1x16xf32> to vector<16xf32>
        %mul3A_526 = arith.mulf %get3A_71, %get3A_525 : vector<16xf32>
        %add3A_527 = arith.addf %mul3A_521, %mul3A_526 : vector<16xf32>
        %get3A_528 = arith.index_cast %scan3A_59 : i32 to index
        %get3A_529 = arith.constant 320 : index
        %get3A_530 = tpu.vector_load %arg11[%get3A_528, %get3A_529] {strides = array<i32>} : memref<32x512xf32, #tpu.memory_space<vmem>>, vector<1x16xf32>,
        %get3A_531 = vector.shape_cast %get3A_530 : vector<1x16xf32> to vector<16xf32>
        %mul3A_532 = arith.mulf %get3A_77, %get3A_531 : vector<16xf32>
        %add3A_533 = arith.addf %add3A_527, %mul3A_532 : vector<16xf32>
        %swap3A_534 = arith.index_cast %scan3A_59 : i32 to index
        %swap3A_535 = arith.constant 320 : index
        %swap3A_536 = tpu.vector_load %arg13[%swap3A_534, %swap3A_535] {strides = array<i32>} : memref<32x512xf32, #tpu.memory_space<vmem>>, vector<1x16xf32>,
        %swap3A_537 = vector.shape_cast %swap3A_536 : vector<1x16xf32> to vector<16xf32>
        %swap3A_538 = vector.shape_cast %add3A_533 : vector<16xf32> to vector<1x16xf32>
        tpu.vector_store %arg13[%swap3A_534, %swap3A_535], %swap3A_538 {strides = array<i32>} : memref<32x512xf32, #tpu.memory_space<vmem>>, vector<1x16xf32>,
        %get3A_539 = arith.index_cast %scan3A_59 : i32 to index
        %get3A_540 = arith.constant 336 : index
        %get3A_541 = tpu.vector_load %arg9[%get3A_539, %get3A_540] {strides = array<i32>} : memref<32x512xf32, #tpu.memory_space<vmem>>, vector<1x16xf32>,
        %get3A_542 = vector.shape_cast %get3A_541 : vector<1x16xf32> to vector<16xf32>
        %mul3A_543 = arith.mulf %get3A_65, %get3A_542 : vector<16xf32>
        %get3A_544 = arith.index_cast %scan3A_59 : i32 to index
        %get3A_545 = arith.constant 336 : index
        %get3A_546 = tpu.vector_load %arg10[%get3A_544, %get3A_545] {strides = array<i32>} : memref<32x512xf32, #tpu.memory_space<vmem>>, vector<1x16xf32>,
        %get3A_547 = vector.shape_cast %get3A_546 : vector<1x16xf32> to vector<16xf32>
        %mul3A_548 = arith.mulf %get3A_71, %get3A_547 : vector<16xf32>
        %add3A_549 = arith.addf %mul3A_543, %mul3A_548 : vector<16xf32>
        %get3A_550 = arith.index_cast %scan3A_59 : i32 to index
        %get3A_551 = arith.constant 336 : index
        %get3A_552 = tpu.vector_load %arg11[%get3A_550, %get3A_551] {strides = array<i32>} : memref<32x512xf32, #tpu.memory_space<vmem>>, vector<1x16xf32>,
        %get3A_553 = vector.shape_cast %get3A_552 : vector<1x16xf32> to vector<16xf32>
        %mul3A_554 = arith.mulf %get3A_77, %get3A_553 : vector<16xf32>
        %add3A_555 = arith.addf %add3A_549, %mul3A_554 : vector<16xf32>
        %swap3A_556 = arith.index_cast %scan3A_59 : i32 to index
        %swap3A_557 = arith.constant 336 : index
        %swap3A_558 = tpu.vector_load %arg13[%swap3A_556, %swap3A_557] {strides = array<i32>} : memref<32x512xf32, #tpu.memory_space<vmem>>, vector<1x16xf32>,
        %swap3A_559 = vector.shape_cast %swap3A_558 : vector<1x16xf32> to vector<16xf32>
        %swap3A_560 = vector.shape_cast %add3A_555 : vector<16xf32> to vector<1x16xf32>
        tpu.vector_store %arg13[%swap3A_556, %swap3A_557], %swap3A_560 {strides = array<i32>} : memref<32x512xf32, #tpu.memory_space<vmem>>, vector<1x16xf32>,
        %get3A_561 = arith.index_cast %scan3A_59 : i32 to index
        %get3A_562 = arith.constant 352 : index
        %get3A_563 = tpu.vector_load %arg9[%get3A_561, %get3A_562] {strides = array<i32>} : memref<32x512xf32, #tpu.memory_space<vmem>>, vector<1x16xf32>,
        %get3A_564 = vector.shape_cast %get3A_563 : vector<1x16xf32> to vector<16xf32>
        %mul3A_565 = arith.mulf %get3A_65, %get3A_564 : vector<16xf32>
        %get3A_566 = arith.index_cast %scan3A_59 : i32 to index
        %get3A_567 = arith.constant 352 : index
        %get3A_568 = tpu.vector_load %arg10[%get3A_566, %get3A_567] {strides = array<i32>} : memref<32x512xf32, #tpu.memory_space<vmem>>, vector<1x16xf32>,
        %get3A_569 = vector.shape_cast %get3A_568 : vector<1x16xf32> to vector<16xf32>
        %mul3A_570 = arith.mulf %get3A_71, %get3A_569 : vector<16xf32>
        %add3A_571 = arith.addf %mul3A_565, %mul3A_570 : vector<16xf32>
        %get3A_572 = arith.index_cast %scan3A_59 : i32 to index
        %get3A_573 = arith.constant 352 : index
        %get3A_574 = tpu.vector_load %arg11[%get3A_572, %get3A_573] {strides = array<i32>} : memref<32x512xf32, #tpu.memory_space<vmem>>, vector<1x16xf32>,
        %get3A_575 = vector.shape_cast %get3A_574 : vector<1x16xf32> to vector<16xf32>
        %mul3A_576 = arith.mulf %get3A_77, %get3A_575 : vector<16xf32>
        %add3A_577 = arith.addf %add3A_571, %mul3A_576 : vector<16xf32>
        %swap3A_578 = arith.index_cast %scan3A_59 : i32 to index
        %swap3A_579 = arith.constant 352 : index
        %swap3A_580 = tpu.vector_load %arg13[%swap3A_578, %swap3A_579] {strides = array<i32>} : memref<32x512xf32, #tpu.memory_space<vmem>>, vector<1x16xf32>,
        %swap3A_581 = vector.shape_cast %swap3A_580 : vector<1x16xf32> to vector<16xf32>
        %swap3A_582 = vector.shape_cast %add3A_577 : vector<16xf32> to vector<1x16xf32>
        tpu.vector_store %arg13[%swap3A_578, %swap3A_579], %swap3A_582 {strides = array<i32>} : memref<32x512xf32, #tpu.memory_space<vmem>>, vector<1x16xf32>,
        %get3A_583 = arith.index_cast %scan3A_59 : i32 to index
        %get3A_584 = arith.constant 368 : index
        %get3A_585 = tpu.vector_load %arg9[%get3A_583, %get3A_584] {strides = array<i32>} : memref<32x512xf32, #tpu.memory_space<vmem>>, vector<1x16xf32>,
        %get3A_586 = vector.shape_cast %get3A_585 : vector<1x16xf32> to vector<16xf32>
        %mul3A_587 = arith.mulf %get3A_65, %get3A_586 : vector<16xf32>
        %get3A_588 = arith.index_cast %scan3A_59 : i32 to index
        %get3A_589 = arith.constant 368 : index
        %get3A_590 = tpu.vector_load %arg10[%get3A_588, %get3A_589] {strides = array<i32>} : memref<32x512xf32, #tpu.memory_space<vmem>>, vector<1x16xf32>,
        %get3A_591 = vector.shape_cast %get3A_590 : vector<1x16xf32> to vector<16xf32>
        %mul3A_592 = arith.mulf %get3A_71, %get3A_591 : vector<16xf32>
        %add3A_593 = arith.addf %mul3A_587, %mul3A_592 : vector<16xf32>
        %get3A_594 = arith.index_cast %scan3A_59 : i32 to index
        %get3A_595 = arith.constant 368 : index
        %get3A_596 = tpu.vector_load %arg11[%get3A_594, %get3A_595] {strides = array<i32>} : memref<32x512xf32, #tpu.memory_space<vmem>>, vector<1x16xf32>,
        %get3A_597 = vector.shape_cast %get3A_596 : vector<1x16xf32> to vector<16xf32>
        %mul3A_598 = arith.mulf %get3A_77, %get3A_597 : vector<16xf32>
        %add3A_599 = arith.addf %add3A_593, %mul3A_598 : vector<16xf32>
        %swap3A_600 = arith.index_cast %scan3A_59 : i32 to index
        %swap3A_601 = arith.constant 368 : index
        %swap3A_602 = tpu.vector_load %arg13[%swap3A_600, %swap3A_601] {strides = array<i32>} : memref<32x512xf32, #tpu.memory_space<vmem>>, vector<1x16xf32>,
        %swap3A_603 = vector.shape_cast %swap3A_602 : vector<1x16xf32> to vector<16xf32>
        %swap3A_604 = vector.shape_cast %add3A_599 : vector<16xf32> to vector<1x16xf32>
        tpu.vector_store %arg13[%swap3A_600, %swap3A_601], %swap3A_604 {strides = array<i32>} : memref<32x512xf32, #tpu.memory_space<vmem>>, vector<1x16xf32>,
        %get3A_605 = arith.index_cast %scan3A_59 : i32 to index
        %get3A_606 = arith.constant 384 : index
        %get3A_607 = tpu.vector_load %arg9[%get3A_605, %get3A_606] {strides = array<i32>} : memref<32x512xf32, #tpu.memory_space<vmem>>, vector<1x16xf32>,
        %get3A_608 = vector.shape_cast %get3A_607 : vector<1x16xf32> to vector<16xf32>
        %mul3A_609 = arith.mulf %get3A_65, %get3A_608 : vector<16xf32>
        %get3A_610 = arith.index_cast %scan3A_59 : i32 to index
        %get3A_611 = arith.constant 384 : index
        %get3A_612 = tpu.vector_load %arg10[%get3A_610, %get3A_611] {strides = array<i32>} : memref<32x512xf32, #tpu.memory_space<vmem>>, vector<1x16xf32>,
        %get3A_613 = vector.shape_cast %get3A_612 : vector<1x16xf32> to vector<16xf32>
        %mul3A_614 = arith.mulf %get3A_71, %get3A_613 : vector<16xf32>
        %add3A_615 = arith.addf %mul3A_609, %mul3A_614 : vector<16xf32>
        %get3A_616 = arith.index_cast %scan3A_59 : i32 to index
        %get3A_617 = arith.constant 384 : index
        %get3A_618 = tpu.vector_load %arg11[%get3A_616, %get3A_617] {strides = array<i32>} : memref<32x512xf32, #tpu.memory_space<vmem>>, vector<1x16xf32>,
        %get3A_619 = vector.shape_cast %get3A_618 : vector<1x16xf32> to vector<16xf32>
        %mul3A_620 = arith.mulf %get3A_77, %get3A_619 : vector<16xf32>
        %add3A_621 = arith.addf %add3A_615, %mul3A_620 : vector<16xf32>
        %swap3A_622 = arith.index_cast %scan3A_59 : i32 to index
        %swap3A_623 = arith.constant 384 : index
        %swap3A_624 = tpu.vector_load %arg13[%swap3A_622, %swap3A_623] {strides = array<i32>} : memref<32x512xf32, #tpu.memory_space<vmem>>, vector<1x16xf32>,
        %swap3A_625 = vector.shape_cast %swap3A_624 : vector<1x16xf32> to vector<16xf32>
        %swap3A_626 = vector.shape_cast %add3A_621 : vector<16xf32> to vector<1x16xf32>
        tpu.vector_store %arg13[%swap3A_622, %swap3A_623], %swap3A_626 {strides = array<i32>} : memref<32x512xf32, #tpu.memory_space<vmem>>, vector<1x16xf32>,
        %get3A_627 = arith.index_cast %scan3A_59 : i32 to index
        %get3A_628 = arith.constant 400 : index
        %get3A_629 = tpu.vector_load %arg9[%get3A_627, %get3A_628] {strides = array<i32>} : memref<32x512xf32, #tpu.memory_space<vmem>>, vector<1x16xf32>,
        %get3A_630 = vector.shape_cast %get3A_629 : vector<1x16xf32> to vector<16xf32>
        %mul3A_631 = arith.mulf %get3A_65, %get3A_630 : vector<16xf32>
        %get3A_632 = arith.index_cast %scan3A_59 : i32 to index
        %get3A_633 = arith.constant 400 : index
        %get3A_634 = tpu.vector_load %arg10[%get3A_632, %get3A_633] {strides = array<i32>} : memref<32x512xf32, #tpu.memory_space<vmem>>, vector<1x16xf32>,
        %get3A_635 = vector.shape_cast %get3A_634 : vector<1x16xf32> to vector<16xf32>
        %mul3A_636 = arith.mulf %get3A_71, %get3A_635 : vector<16xf32>
        %add3A_637 = arith.addf %mul3A_631, %mul3A_636 : vector<16xf32>
        %get3A_638 = arith.index_cast %scan3A_59 : i32 to index
        %get3A_639 = arith.constant 400 : index
        %get3A_640 = tpu.vector_load %arg11[%get3A_638, %get3A_639] {strides = array<i32>} : memref<32x512xf32, #tpu.memory_space<vmem>>, vector<1x16xf32>,
        %get3A_641 = vector.shape_cast %get3A_640 : vector<1x16xf32> to vector<16xf32>
        %mul3A_642 = arith.mulf %get3A_77, %get3A_641 : vector<16xf32>
        %add3A_643 = arith.addf %add3A_637, %mul3A_642 : vector<16xf32>
        %swap3A_644 = arith.index_cast %scan3A_59 : i32 to index
        %swap3A_645 = arith.constant 400 : index
        %swap3A_646 = tpu.vector_load %arg13[%swap3A_644, %swap3A_645] {strides = array<i32>} : memref<32x512xf32, #tpu.memory_space<vmem>>, vector<1x16xf32>,
        %swap3A_647 = vector.shape_cast %swap3A_646 : vector<1x16xf32> to vector<16xf32>
        %swap3A_648 = vector.shape_cast %add3A_643 : vector<16xf32> to vector<1x16xf32>
        tpu.vector_store %arg13[%swap3A_644, %swap3A_645], %swap3A_648 {strides = array<i32>} : memref<32x512xf32, #tpu.memory_space<vmem>>, vector<1x16xf32>,
        %get3A_649 = arith.index_cast %scan3A_59 : i32 to index
        %get3A_650 = arith.constant 416 : index
        %get3A_651 = tpu.vector_load %arg9[%get3A_649, %get3A_650] {strides = array<i32>} : memref<32x512xf32, #tpu.memory_space<vmem>>, vector<1x16xf32>,
        %get3A_652 = vector.shape_cast %get3A_651 : vector<1x16xf32> to vector<16xf32>
        %mul3A_653 = arith.mulf %get3A_65, %get3A_652 : vector<16xf32>
        %get3A_654 = arith.index_cast %scan3A_59 : i32 to index
        %get3A_655 = arith.constant 416 : index
        %get3A_656 = tpu.vector_load %arg10[%get3A_654, %get3A_655] {strides = array<i32>} : memref<32x512xf32, #tpu.memory_space<vmem>>, vector<1x16xf32>,
        %get3A_657 = vector.shape_cast %get3A_656 : vector<1x16xf32> to vector<16xf32>
        %mul3A_658 = arith.mulf %get3A_71, %get3A_657 : vector<16xf32>
        %add3A_659 = arith.addf %mul3A_653, %mul3A_658 : vector<16xf32>
        %get3A_660 = arith.index_cast %scan3A_59 : i32 to index
        %get3A_661 = arith.constant 416 : index
        %get3A_662 = tpu.vector_load %arg11[%get3A_660, %get3A_661] {strides = array<i32>} : memref<32x512xf32, #tpu.memory_space<vmem>>, vector<1x16xf32>,
        %get3A_663 = vector.shape_cast %get3A_662 : vector<1x16xf32> to vector<16xf32>
        %mul3A_664 = arith.mulf %get3A_77, %get3A_663 : vector<16xf32>
        %add3A_665 = arith.addf %add3A_659, %mul3A_664 : vector<16xf32>
        %swap3A_666 = arith.index_cast %scan3A_59 : i32 to index
        %swap3A_667 = arith.constant 416 : index
        %swap3A_668 = tpu.vector_load %arg13[%swap3A_666, %swap3A_667] {strides = array<i32>} : memref<32x512xf32, #tpu.memory_space<vmem>>, vector<1x16xf32>,
        %swap3A_669 = vector.shape_cast %swap3A_668 : vector<1x16xf32> to vector<16xf32>
        %swap3A_670 = vector.shape_cast %add3A_665 : vector<16xf32> to vector<1x16xf32>
        tpu.vector_store %arg13[%swap3A_666, %swap3A_667], %swap3A_670 {strides = array<i32>} : memref<32x512xf32, #tpu.memory_space<vmem>>, vector<1x16xf32>,
        %get3A_671 = arith.index_cast %scan3A_59 : i32 to index
        %get3A_672 = arith.constant 432 : index
        %get3A_673 = tpu.vector_load %arg9[%get3A_671, %get3A_672] {strides = array<i32>} : memref<32x512xf32, #tpu.memory_space<vmem>>, vector<1x16xf32>,
        %get3A_674 = vector.shape_cast %get3A_673 : vector<1x16xf32> to vector<16xf32>
        %mul3A_675 = arith.mulf %get3A_65, %get3A_674 : vector<16xf32>
        %get3A_676 = arith.index_cast %scan3A_59 : i32 to index
        %get3A_677 = arith.constant 432 : index
        %get3A_678 = tpu.vector_load %arg10[%get3A_676, %get3A_677] {strides = array<i32>} : memref<32x512xf32, #tpu.memory_space<vmem>>, vector<1x16xf32>,
        %get3A_679 = vector.shape_cast %get3A_678 : vector<1x16xf32> to vector<16xf32>
        %mul3A_680 = arith.mulf %get3A_71, %get3A_679 : vector<16xf32>
        %add3A_681 = arith.addf %mul3A_675, %mul3A_680 : vector<16xf32>
        %get3A_682 = arith.index_cast %scan3A_59 : i32 to index
        %get3A_683 = arith.constant 432 : index
        %get3A_684 = tpu.vector_load %arg11[%get3A_682, %get3A_683] {strides = array<i32>} : memref<32x512xf32, #tpu.memory_space<vmem>>, vector<1x16xf32>,
        %get3A_685 = vector.shape_cast %get3A_684 : vector<1x16xf32> to vector<16xf32>
        %mul3A_686 = arith.mulf %get3A_77, %get3A_685 : vector<16xf32>
        %add3A_687 = arith.addf %add3A_681, %mul3A_686 : vector<16xf32>
        %swap3A_688 = arith.index_cast %scan3A_59 : i32 to index
        %swap3A_689 = arith.constant 432 : index
        %swap3A_690 = tpu.vector_load %arg13[%swap3A_688, %swap3A_689] {strides = array<i32>} : memref<32x512xf32, #tpu.memory_space<vmem>>, vector<1x16xf32>,
        %swap3A_691 = vector.shape_cast %swap3A_690 : vector<1x16xf32> to vector<16xf32>
        %swap3A_692 = vector.shape_cast %add3A_687 : vector<16xf32> to vector<1x16xf32>
        tpu.vector_store %arg13[%swap3A_688, %swap3A_689], %swap3A_692 {strides = array<i32>} : memref<32x512xf32, #tpu.memory_space<vmem>>, vector<1x16xf32>,
        %get3A_693 = arith.index_cast %scan3A_59 : i32 to index
        %get3A_694 = arith.constant 448 : index
        %get3A_695 = tpu.vector_load %arg9[%get3A_693, %get3A_694] {strides = array<i32>} : memref<32x512xf32, #tpu.memory_space<vmem>>, vector<1x16xf32>,
        %get3A_696 = vector.shape_cast %get3A_695 : vector<1x16xf32> to vector<16xf32>
        %mul3A_697 = arith.mulf %get3A_65, %get3A_696 : vector<16xf32>
        %get3A_698 = arith.index_cast %scan3A_59 : i32 to index
        %get3A_699 = arith.constant 448 : index
        %get3A_700 = tpu.vector_load %arg10[%get3A_698, %get3A_699] {strides = array<i32>} : memref<32x512xf32, #tpu.memory_space<vmem>>, vector<1x16xf32>,
        %get3A_701 = vector.shape_cast %get3A_700 : vector<1x16xf32> to vector<16xf32>
        %mul3A_702 = arith.mulf %get3A_71, %get3A_701 : vector<16xf32>
        %add3A_703 = arith.addf %mul3A_697, %mul3A_702 : vector<16xf32>
        %get3A_704 = arith.index_cast %scan3A_59 : i32 to index
        %get3A_705 = arith.constant 448 : index
        %get3A_706 = tpu.vector_load %arg11[%get3A_704, %get3A_705] {strides = array<i32>} : memref<32x512xf32, #tpu.memory_space<vmem>>, vector<1x16xf32>,
        %get3A_707 = vector.shape_cast %get3A_706 : vector<1x16xf32> to vector<16xf32>
        %mul3A_708 = arith.mulf %get3A_77, %get3A_707 : vector<16xf32>
        %add3A_709 = arith.addf %add3A_703, %mul3A_708 : vector<16xf32>
        %swap3A_710 = arith.index_cast %scan3A_59 : i32 to index
        %swap3A_711 = arith.constant 448 : index
        %swap3A_712 = tpu.vector_load %arg13[%swap3A_710, %swap3A_711] {strides = array<i32>} : memref<32x512xf32, #tpu.memory_space<vmem>>, vector<1x16xf32>,
        %swap3A_713 = vector.shape_cast %swap3A_712 : vector<1x16xf32> to vector<16xf32>
        %swap3A_714 = vector.shape_cast %add3A_709 : vector<16xf32> to vector<1x16xf32>
        tpu.vector_store %arg13[%swap3A_710, %swap3A_711], %swap3A_714 {strides = array<i32>} : memref<32x512xf32, #tpu.memory_space<vmem>>, vector<1x16xf32>,
        %get3A_715 = arith.index_cast %scan3A_59 : i32 to index
        %get3A_716 = arith.constant 464 : index
        %get3A_717 = tpu.vector_load %arg9[%get3A_715, %get3A_716] {strides = array<i32>} : memref<32x512xf32, #tpu.memory_space<vmem>>, vector<1x16xf32>,
        %get3A_718 = vector.shape_cast %get3A_717 : vector<1x16xf32> to vector<16xf32>
        %mul3A_719 = arith.mulf %get3A_65, %get3A_718 : vector<16xf32>
        %get3A_720 = arith.index_cast %scan3A_59 : i32 to index
        %get3A_721 = arith.constant 464 : index
        %get3A_722 = tpu.vector_load %arg10[%get3A_720, %get3A_721] {strides = array<i32>} : memref<32x512xf32, #tpu.memory_space<vmem>>, vector<1x16xf32>,
        %get3A_723 = vector.shape_cast %get3A_722 : vector<1x16xf32> to vector<16xf32>
        %mul3A_724 = arith.mulf %get3A_71, %get3A_723 : vector<16xf32>
        %add3A_725 = arith.addf %mul3A_719, %mul3A_724 : vector<16xf32>
        %get3A_726 = arith.index_cast %scan3A_59 : i32 to index
        %get3A_727 = arith.constant 464 : index
        %get3A_728 = tpu.vector_load %arg11[%get3A_726, %get3A_727] {strides = array<i32>} : memref<32x512xf32, #tpu.memory_space<vmem>>, vector<1x16xf32>,
        %get3A_729 = vector.shape_cast %get3A_728 : vector<1x16xf32> to vector<16xf32>
        %mul3A_730 = arith.mulf %get3A_77, %get3A_729 : vector<16xf32>
        %add3A_731 = arith.addf %add3A_725, %mul3A_730 : vector<16xf32>
        %swap3A_732 = arith.index_cast %scan3A_59 : i32 to index
        %swap3A_733 = arith.constant 464 : index
        %swap3A_734 = tpu.vector_load %arg13[%swap3A_732, %swap3A_733] {strides = array<i32>} : memref<32x512xf32, #tpu.memory_space<vmem>>, vector<1x16xf32>,
        %swap3A_735 = vector.shape_cast %swap3A_734 : vector<1x16xf32> to vector<16xf32>
        %swap3A_736 = vector.shape_cast %add3A_731 : vector<16xf32> to vector<1x16xf32>
        tpu.vector_store %arg13[%swap3A_732, %swap3A_733], %swap3A_736 {strides = array<i32>} : memref<32x512xf32, #tpu.memory_space<vmem>>, vector<1x16xf32>,
        %get3A_737 = arith.index_cast %scan3A_59 : i32 to index
        %get3A_738 = arith.constant 480 : index
        %get3A_739 = tpu.vector_load %arg9[%get3A_737, %get3A_738] {strides = array<i32>} : memref<32x512xf32, #tpu.memory_space<vmem>>, vector<1x16xf32>,
        %get3A_740 = vector.shape_cast %get3A_739 : vector<1x16xf32> to vector<16xf32>
        %mul3A_741 = arith.mulf %get3A_65, %get3A_740 : vector<16xf32>
        %get3A_742 = arith.index_cast %scan3A_59 : i32 to index
        %get3A_743 = arith.constant 480 : index
        %get3A_744 = tpu.vector_load %arg10[%get3A_742, %get3A_743] {strides = array<i32>} : memref<32x512xf32, #tpu.memory_space<vmem>>, vector<1x16xf32>,
        %get3A_745 = vector.shape_cast %get3A_744 : vector<1x16xf32> to vector<16xf32>
        %mul3A_746 = arith.mulf %get3A_71, %get3A_745 : vector<16xf32>
        %add3A_747 = arith.addf %mul3A_741, %mul3A_746 : vector<16xf32>
        %get3A_748 = arith.index_cast %scan3A_59 : i32 to index
        %get3A_749 = arith.constant 480 : index
        %get3A_750 = tpu.vector_load %arg11[%get3A_748, %get3A_749] {strides = array<i32>} : memref<32x512xf32, #tpu.memory_space<vmem>>, vector<1x16xf32>,
        %get3A_751 = vector.shape_cast %get3A_750 : vector<1x16xf32> to vector<16xf32>
        %mul3A_752 = arith.mulf %get3A_77, %get3A_751 : vector<16xf32>
        %add3A_753 = arith.addf %add3A_747, %mul3A_752 : vector<16xf32>
        %swap3A_754 = arith.index_cast %scan3A_59 : i32 to index
        %swap3A_755 = arith.constant 480 : index
        %swap3A_756 = tpu.vector_load %arg13[%swap3A_754, %swap3A_755] {strides = array<i32>} : memref<32x512xf32, #tpu.memory_space<vmem>>, vector<1x16xf32>,
        %swap3A_757 = vector.shape_cast %swap3A_756 : vector<1x16xf32> to vector<16xf32>
        %swap3A_758 = vector.shape_cast %add3A_753 : vector<16xf32> to vector<1x16xf32>
        tpu.vector_store %arg13[%swap3A_754, %swap3A_755], %swap3A_758 {strides = array<i32>} : memref<32x512xf32, #tpu.memory_space<vmem>>, vector<1x16xf32>,
        %get3A_759 = arith.index_cast %scan3A_59 : i32 to index
        %get3A_760 = arith.constant 496 : index
        %get3A_761 = tpu.vector_load %arg9[%get3A_759, %get3A_760] {strides = array<i32>} : memref<32x512xf32, #tpu.memory_space<vmem>>, vector<1x16xf32>,
        %get3A_762 = vector.shape_cast %get3A_761 : vector<1x16xf32> to vector<16xf32>
        %mul3A_763 = arith.mulf %get3A_65, %get3A_762 : vector<16xf32>
        %get3A_764 = arith.index_cast %scan3A_59 : i32 to index
        %get3A_765 = arith.constant 496 : index
        %get3A_766 = tpu.vector_load %arg10[%get3A_764, %get3A_765] {strides = array<i32>} : memref<32x512xf32, #tpu.memory_space<vmem>>, vector<1x16xf32>,
        %get3A_767 = vector.shape_cast %get3A_766 : vector<1x16xf32> to vector<16xf32>
        %mul3A_768 = arith.mulf %get3A_71, %get3A_767 : vector<16xf32>
        %add3A_769 = arith.addf %mul3A_763, %mul3A_768 : vector<16xf32>
        %get3A_770 = arith.index_cast %scan3A_59 : i32 to index
        %get3A_771 = arith.constant 496 : index
        %get3A_772 = tpu.vector_load %arg11[%get3A_770, %get3A_771] {strides = array<i32>} : memref<32x512xf32, #tpu.memory_space<vmem>>, vector<1x16xf32>,
        %get3A_773 = vector.shape_cast %get3A_772 : vector<1x16xf32> to vector<16xf32>
        %mul3A_774 = arith.mulf %get3A_77, %get3A_773 : vector<16xf32>
        %add3A_775 = arith.addf %add3A_769, %mul3A_774 : vector<16xf32>
        %swap3A_776 = arith.index_cast %scan3A_59 : i32 to index
        %swap3A_777 = arith.constant 496 : index
        %swap3A_778 = tpu.vector_load %arg13[%swap3A_776, %swap3A_777] {strides = array<i32>} : memref<32x512xf32, #tpu.memory_space<vmem>>, vector<1x16xf32>,
        %swap3A_779 = vector.shape_cast %swap3A_778 : vector<1x16xf32> to vector<16xf32>
        %swap3A_780 = vector.shape_cast %add3A_775 : vector<16xf32> to vector<1x16xf32>
        tpu.vector_store %arg13[%swap3A_776, %swap3A_777], %swap3A_780 {strides = array<i32>} : memref<32x512xf32, #tpu.memory_space<vmem>>, vector<1x16xf32>,
        %scan3A_781 = arith.constant 0 : i32
        scf.yield %scan3A_781 : i32
      }
      %scan3A_57 = arith.constant 32 : i32
      "tpu.region"() ({
        %run_scoped3A_59 = tpu.sem_alloc : memref<!tpu.dma_semaphore, #tpu.memory_space<semaphore_mem>>
        %dma_start3A_60 = arith.constant 0 : i32
        %dma_start3A_61 = tpu.memref_slice %arg5[%add3A_29, %dma_start3A_60] : memref<16384x512xf32, #tpu.memory_space<hbm>> -> memref<32x512xf32, #tpu.memory_space<hbm>>
        %dma_start3A_62 = arith.constant 0 : i32
        %dma_start3A_63 = tpu.memref_slice %arg5[%add3A_29, %dma_start3A_62] : memref<16384x512xf32, #tpu.memory_space<hbm>> -> memref<32x512xf32, #tpu.memory_space<hbm>>
        tpu.enqueue_dma source(%arg13 : memref<32x512xf32, #tpu.memory_space<vmem>>) target(%dma_start3A_63 : memref<32x512xf32, #tpu.memory_space<hbm>>) target_semaphore(%run_scoped3A_59 : memref<!tpu.dma_semaphore, #tpu.memory_space<semaphore_mem>>)
        %dma_wait3A_64 = arith.constant 0 : i32
        %dma_wait3A_65 = tpu.memref_slice %arg5[%add3A_29, %dma_wait3A_64] : memref<16384x512xf32, #tpu.memory_space<hbm>> -> memref<32x512xf32, #tpu.memory_space<hbm>>
        %dma_wait3A_66 = arith.constant 0 : i32
        %dma_wait3A_67 = tpu.memref_slice %arg5[%add3A_29, %dma_wait3A_66] : memref<16384x512xf32, #tpu.memory_space<hbm>> -> memref<32x512xf32, #tpu.memory_space<hbm>>
        tpu.wait_dma2 semaphore(%run_scoped3A_59 : memref<!tpu.dma_semaphore, #tpu.memory_space<semaphore_mem>>) src(%arg13 : memref<32x512xf32, #tpu.memory_space<vmem>>) dst(%dma_wait3A_67 : memref<32x512xf32, #tpu.memory_space<hbm>>)
        tpu.yield
      }) : () -> ()
      %scan3A_58 = arith.constant 0 : i32
      scf.yield %scan3A_58 : i32
    }
    %scan3A_24 = arith.constant 16 : i32
    return
  }
}

module attributes {stable_mosaic.version = 14 : i64} {
  func.func @_knn_kernel(%arg0: i32, %arg1: memref<1x1024x3xf32, #tpu.memory_space<vmem>>, %arg2: memref<1x1024x256xf32, #tpu.memory_space<vmem>>, %arg3: memref<1x3x256xf32, #tpu.memory_space<vmem>>, %arg4: memref<256x256xf32, #tpu.memory_space<vmem>>, %arg5: memref<1x256xf32, #tpu.memory_space<vmem>>, %arg6: memref<1x3x1024xi32, #tpu.memory_space<vmem>>, %arg7: memref<1x3x1024x16xf32, #tpu.memory_space<vmem>>, %arg8: memref<1x1024x256xf32, #tpu.memory_space<vmem>>) attributes {dimension_semantics = [#tpu.dimension_semantics<arbitrary>], iteration_bounds = array<i64: 16>, scalar_prefetch = 0 : i64, scratch_operands = 0 : i64, tpu.core_type = #tpu.core_type<tc>, window_params = [{transform_indices = @transform_0, window_bounds = array<i64: 1, 1024, 3>}, {transform_indices = @transform_1, window_bounds = array<i64: 1, 1024, 256>}, {transform_indices = @transform_2, window_bounds = array<i64: 1, 3, 256>}, {pipeline_mode = #tpu.pipeline_mode<synchronous>, transform_indices = @transform_3, window_bounds = array<i64: 256, 256>}, {pipeline_mode = #tpu.pipeline_mode<synchronous>, transform_indices = @transform_4, window_bounds = array<i64: 1, 256>}, {transform_indices = @transform_5, window_bounds = array<i64: 1, 3, 1024>}, {transform_indices = @transform_6, window_bounds = array<i64: 1, 3, 1024, 16>}, {transform_indices = @transform_7, window_bounds = array<i64: 1, 1024, 256>}]} {
    %get3A = arith.constant 0 : index
    %get3A_0 = arith.constant 0 : index
    %get3A_1 = arith.constant 0 : index
    %get3A_2 = vector.load %arg1[%get3A, %get3A_0, %get3A_1] : memref<1x1024x3xf32, #tpu.memory_space<vmem>>, vector<1x1024x3xf32>
    %get3A_3 = vector.shape_cast %get3A_2 : vector<1x1024x3xf32> to vector<1024x3xf32>
    %get3A_4 = arith.constant 0 : index
    %get3A_5 = arith.constant 0 : index
    %get3A_6 = arith.constant 0 : index
    %get3A_7 = vector.load %arg3[%get3A_4, %get3A_5, %get3A_6] : memref<1x3x256xf32, #tpu.memory_space<vmem>>, vector<1x3x256xf32>
    %get3A_8 = vector.shape_cast %get3A_7 : vector<1x3x256xf32> to vector<3x256xf32>
    %broadcast_in_dim3A = arith.constant 0.000000e+00 : f32
    %broadcast_in_dim3A_9 = vector.broadcast %broadcast_in_dim3A : f32 to vector<1024x256xf32>
    %slice3A = vector.extract_strided_slice %get3A_3 {offsets = [0, 0], sizes = [1024, 1], strides = [1, 1]} : vector<1024x3xf32> to vector<1024x1xf32>
    %slice3A_10 = vector.extract_strided_slice %get3A_8 {offsets = [0, 0], sizes = [1, 256], strides = [1, 1]} : vector<3x256xf32> to vector<1x256xf32>
    %sub3A = vector.broadcast %slice3A : vector<1024x1xf32> to vector<1024x256xf32>
    %sub3A_11 = vector.broadcast %slice3A_10 : vector<1x256xf32> to vector<1024x256xf32>
    %sub3A_12 = arith.subf %sub3A, %sub3A_11 : vector<1024x256xf32>
    %mul3A = arith.mulf %sub3A_12, %sub3A_12 : vector<1024x256xf32>
    %add3A = arith.addf %broadcast_in_dim3A_9, %mul3A : vector<1024x256xf32>
    %slice3A_13 = vector.extract_strided_slice %get3A_3 {offsets = [0, 1], sizes = [1024, 1], strides = [1, 1]} : vector<1024x3xf32> to vector<1024x1xf32>
    %slice3A_14 = vector.extract_strided_slice %get3A_8 {offsets = [1, 0], sizes = [1, 256], strides = [1, 1]} : vector<3x256xf32> to vector<1x256xf32>
    %sub3A_15 = vector.broadcast %slice3A_13 : vector<1024x1xf32> to vector<1024x256xf32>
    %sub3A_16 = vector.broadcast %slice3A_14 : vector<1x256xf32> to vector<1024x256xf32>
    %sub3A_17 = arith.subf %sub3A_15, %sub3A_16 : vector<1024x256xf32>
    %mul3A_18 = arith.mulf %sub3A_17, %sub3A_17 : vector<1024x256xf32>
    %add3A_19 = arith.addf %add3A, %mul3A_18 : vector<1024x256xf32>
    %slice3A_20 = vector.extract_strided_slice %get3A_3 {offsets = [0, 2], sizes = [1024, 1], strides = [1, 1]} : vector<1024x3xf32> to vector<1024x1xf32>
    %slice3A_21 = vector.extract_strided_slice %get3A_8 {offsets = [2, 0], sizes = [1, 256], strides = [1, 1]} : vector<3x256xf32> to vector<1x256xf32>
    %sub3A_22 = vector.broadcast %slice3A_20 : vector<1024x1xf32> to vector<1024x256xf32>
    %sub3A_23 = vector.broadcast %slice3A_21 : vector<1x256xf32> to vector<1024x256xf32>
    %sub3A_24 = arith.subf %sub3A_22, %sub3A_23 : vector<1024x256xf32>
    %mul3A_25 = arith.mulf %sub3A_24, %sub3A_24 : vector<1024x256xf32>
    %add3A_26 = arith.addf %add3A_19, %mul3A_25 : vector<1024x256xf32>
    %iota3A = tpu.iota {dimensions = array<i32: 1>} : vector<1024x256xi32>
    %reduce_min3A = arith.constant dense<0x7F800000> : vector<1024xf32>
    %reduce_min3A_27 = vector.multi_reduction <minimumf>, %add3A_26, %reduce_min3A [1] : vector<1024x256xf32> to vector<1024xf32>
    %broadcast_in_dim3A_28 = vector.shape_cast %reduce_min3A_27 : vector<1024xf32> to vector<1024x1xf32>
    %eq3A = vector.broadcast %broadcast_in_dim3A_28 : vector<1024x1xf32> to vector<1024x256xf32>
    %eq3A_29 = arith.cmpf oeq, %add3A_26, %eq3A : vector<1024x256xf32>
    %jit3A = arith.constant 256 : i32
    %broadcast_in_dim3A_30 = vector.broadcast %jit3A : i32 to vector<1024x256xi32>
    %select_n3A = arith.select %eq3A_29, %iota3A, %broadcast_in_dim3A_30 : vector<1024x256xi1>, vector<1024x256xi32>
    %reduce_min3A_31 = arith.constant dense<2147483647> : vector<1024xi32>
    %reduce_min3A_32 = vector.multi_reduction <minsi>, %select_n3A, %reduce_min3A_31 [1] : vector<1024x256xi32> to vector<1024xi32>
    %broadcast_in_dim3A_33 = vector.shape_cast %reduce_min3A_32 : vector<1024xi32> to vector<1024x1xi32>
    %eq3A_34 = vector.broadcast %broadcast_in_dim3A_33 : vector<1024x1xi32> to vector<1024x256xi32>
    %eq3A_35 = arith.cmpi eq, %iota3A, %eq3A_34 : vector<1024x256xi32>
    %jit3A_36 = arith.constant 0x7F800000 : f32
    %broadcast_in_dim3A_37 = vector.broadcast %jit3A_36 : f32 to vector<1024x256xf32>
    %select_n3A_38 = arith.select %eq3A_35, %broadcast_in_dim3A_37, %add3A_26 : vector<1024x256xi1>, vector<1024x256xf32>
    %reduce_min3A_39 = arith.constant dense<0x7F800000> : vector<1024xf32>
    %reduce_min3A_40 = vector.multi_reduction <minimumf>, %select_n3A_38, %reduce_min3A_39 [1] : vector<1024x256xf32> to vector<1024xf32>
    %broadcast_in_dim3A_41 = vector.shape_cast %reduce_min3A_40 : vector<1024xf32> to vector<1024x1xf32>
    %eq3A_42 = vector.broadcast %broadcast_in_dim3A_41 : vector<1024x1xf32> to vector<1024x256xf32>
    %eq3A_43 = arith.cmpf oeq, %select_n3A_38, %eq3A_42 : vector<1024x256xf32>
    %jit3A_44 = arith.constant 256 : i32
    %broadcast_in_dim3A_45 = vector.broadcast %jit3A_44 : i32 to vector<1024x256xi32>
    %select_n3A_46 = arith.select %eq3A_43, %iota3A, %broadcast_in_dim3A_45 : vector<1024x256xi1>, vector<1024x256xi32>
    %reduce_min3A_47 = arith.constant dense<2147483647> : vector<1024xi32>
    %reduce_min3A_48 = vector.multi_reduction <minsi>, %select_n3A_46, %reduce_min3A_47 [1] : vector<1024x256xi32> to vector<1024xi32>
    %broadcast_in_dim3A_49 = vector.shape_cast %reduce_min3A_48 : vector<1024xi32> to vector<1024x1xi32>
    %eq3A_50 = vector.broadcast %broadcast_in_dim3A_49 : vector<1024x1xi32> to vector<1024x256xi32>
    %eq3A_51 = arith.cmpi eq, %iota3A, %eq3A_50 : vector<1024x256xi32>
    %jit3A_52 = arith.constant 0x7F800000 : f32
    %broadcast_in_dim3A_53 = vector.broadcast %jit3A_52 : f32 to vector<1024x256xf32>
    %select_n3A_54 = arith.select %eq3A_51, %broadcast_in_dim3A_53, %select_n3A_38 : vector<1024x256xi1>, vector<1024x256xf32>
    %reduce_min3A_55 = arith.constant dense<0x7F800000> : vector<1024xf32>
    %reduce_min3A_56 = vector.multi_reduction <minimumf>, %select_n3A_54, %reduce_min3A_55 [1] : vector<1024x256xf32> to vector<1024xf32>
    %broadcast_in_dim3A_57 = vector.shape_cast %reduce_min3A_56 : vector<1024xf32> to vector<1024x1xf32>
    %eq3A_58 = vector.broadcast %broadcast_in_dim3A_57 : vector<1024x1xf32> to vector<1024x256xf32>
    %eq3A_59 = arith.cmpf oeq, %select_n3A_54, %eq3A_58 : vector<1024x256xf32>
    %jit3A_60 = arith.constant 256 : i32
    %broadcast_in_dim3A_61 = vector.broadcast %jit3A_60 : i32 to vector<1024x256xi32>
    %select_n3A_62 = arith.select %eq3A_59, %iota3A, %broadcast_in_dim3A_61 : vector<1024x256xi1>, vector<1024x256xi32>
    %reduce_min3A_63 = arith.constant dense<2147483647> : vector<1024xi32>
    %reduce_min3A_64 = vector.multi_reduction <minsi>, %select_n3A_62, %reduce_min3A_63 [1] : vector<1024x256xi32> to vector<1024xi32>
    %broadcast_in_dim3A_65 = vector.shape_cast %reduce_min3A_64 : vector<1024xi32> to vector<1024x1xi32>
    %max3A = arith.constant 1.000000e-10 : f32
    %max3A_66 = vector.broadcast %max3A : f32 to vector<1024x1xf32>
    %max3A_67 = arith.maximumf %broadcast_in_dim3A_28, %max3A_66 : vector<1024x1xf32>
    %div3A = arith.constant 1.000000e+00 : f32
    %div3A_68 = vector.broadcast %div3A : f32 to vector<1024x1xf32>
    %div3A_69 = arith.divf %div3A_68, %max3A_67 : vector<1024x1xf32>
    %max3A_70 = arith.constant 1.000000e-10 : f32
    %max3A_71 = vector.broadcast %max3A_70 : f32 to vector<1024x1xf32>
    %max3A_72 = arith.maximumf %broadcast_in_dim3A_41, %max3A_71 : vector<1024x1xf32>
    %div3A_73 = arith.constant 1.000000e+00 : f32
    %div3A_74 = vector.broadcast %div3A_73 : f32 to vector<1024x1xf32>
    %div3A_75 = arith.divf %div3A_74, %max3A_72 : vector<1024x1xf32>
    %max3A_76 = arith.constant 1.000000e-10 : f32
    %max3A_77 = vector.broadcast %max3A_76 : f32 to vector<1024x1xf32>
    %max3A_78 = arith.maximumf %broadcast_in_dim3A_57, %max3A_77 : vector<1024x1xf32>
    %div3A_79 = arith.constant 1.000000e+00 : f32
    %div3A_80 = vector.broadcast %div3A_79 : f32 to vector<1024x1xf32>
    %div3A_81 = arith.divf %div3A_80, %max3A_78 : vector<1024x1xf32>
    %add3A_82 = arith.addf %div3A_69, %div3A_75 : vector<1024x1xf32>
    %add3A_83 = arith.addf %add3A_82, %div3A_81 : vector<1024x1xf32>
    %div3A_84 = arith.constant 1.000000e+00 : f32
    %div3A_85 = vector.broadcast %div3A_84 : f32 to vector<1024x1xf32>
    %div3A_86 = arith.divf %div3A_85, %add3A_83 : vector<1024x1xf32>
    %mul3A_87 = arith.constant 256 : i32
    %mul3A_88 = arith.muli %arg0, %mul3A_87 : i32
    %add3A_89 = vector.broadcast %mul3A_88 : i32 to vector<1024x1xi32>
    %add3A_90 = arith.addi %broadcast_in_dim3A_33, %add3A_89 : vector<1024x1xi32>
    %squeeze3A = vector.shape_cast %add3A_90 : vector<1024x1xi32> to vector<1024xi32>
    %swap3A = arith.constant 0 : index
    %swap3A_91 = arith.constant 0 : index
    %swap3A_92 = arith.constant 0 : index
    %swap3A_93 = vector.load %arg6[%swap3A, %swap3A_91, %swap3A_92] : memref<1x3x1024xi32, #tpu.memory_space<vmem>>, vector<1x1x1024xi32>
    %swap3A_94 = vector.shape_cast %swap3A_93 : vector<1x1x1024xi32> to vector<1024xi32>
    %swap3A_95 = vector.shape_cast %squeeze3A : vector<1024xi32> to vector<1x1x1024xi32>
    tpu.vector_store %arg6[%swap3A, %swap3A_91, %swap3A_92], %swap3A_95 {strides = array<i32>} : memref<1x3x1024xi32, #tpu.memory_space<vmem>>, vector<1x1x1024xi32>,
    %mul3A_96 = arith.mulf %div3A_69, %div3A_86 : vector<1024x1xf32>
    %broadcast_in_dim3A_97 = vector.shape_cast %mul3A_96 : vector<1024x1xf32> to vector<1024x1xf32>
    %broadcast_in_dim3A_98 = vector.broadcast %broadcast_in_dim3A_97 : vector<1024x1xf32> to vector<1024x16xf32>
    %swap3A_99 = arith.constant 0 : index
    %swap3A_100 = arith.constant 0 : index
    %swap3A_101 = arith.constant 0 : index
    %swap3A_102 = arith.constant 0 : index
    %swap3A_103 = vector.load %arg7[%swap3A_99, %swap3A_100, %swap3A_101, %swap3A_102] : memref<1x3x1024x16xf32, #tpu.memory_space<vmem>>, vector<1x1x1024x16xf32>
    %swap3A_104 = vector.shape_cast %swap3A_103 : vector<1x1x1024x16xf32> to vector<1024x16xf32>
    %swap3A_105 = vector.shape_cast %broadcast_in_dim3A_98 : vector<1024x16xf32> to vector<1x1x1024x16xf32>
    tpu.vector_store %arg7[%swap3A_99, %swap3A_100, %swap3A_101, %swap3A_102], %swap3A_105 {strides = array<i32>} : memref<1x3x1024x16xf32, #tpu.memory_space<vmem>>, vector<1x1x1024x16xf32>,
    %add3A_106 = vector.broadcast %mul3A_88 : i32 to vector<1024x1xi32>
    %add3A_107 = arith.addi %broadcast_in_dim3A_49, %add3A_106 : vector<1024x1xi32>
    %squeeze3A_108 = vector.shape_cast %add3A_107 : vector<1024x1xi32> to vector<1024xi32>
    %swap3A_109 = arith.constant 0 : index
    %swap3A_110 = arith.constant 1 : index
    %swap3A_111 = arith.constant 0 : index
    %swap3A_112 = vector.load %arg6[%swap3A_109, %swap3A_110, %swap3A_111] : memref<1x3x1024xi32, #tpu.memory_space<vmem>>, vector<1x1x1024xi32>
    %swap3A_113 = vector.shape_cast %swap3A_112 : vector<1x1x1024xi32> to vector<1024xi32>
    %swap3A_114 = vector.shape_cast %squeeze3A_108 : vector<1024xi32> to vector<1x1x1024xi32>
    tpu.vector_store %arg6[%swap3A_109, %swap3A_110, %swap3A_111], %swap3A_114 {strides = array<i32>} : memref<1x3x1024xi32, #tpu.memory_space<vmem>>, vector<1x1x1024xi32>,
    %mul3A_115 = arith.mulf %div3A_75, %div3A_86 : vector<1024x1xf32>
    %broadcast_in_dim3A_116 = vector.shape_cast %mul3A_115 : vector<1024x1xf32> to vector<1024x1xf32>
    %broadcast_in_dim3A_117 = vector.broadcast %broadcast_in_dim3A_116 : vector<1024x1xf32> to vector<1024x16xf32>
    %swap3A_118 = arith.constant 0 : index
    %swap3A_119 = arith.constant 1 : index
    %swap3A_120 = arith.constant 0 : index
    %swap3A_121 = arith.constant 0 : index
    %swap3A_122 = vector.load %arg7[%swap3A_118, %swap3A_119, %swap3A_120, %swap3A_121] : memref<1x3x1024x16xf32, #tpu.memory_space<vmem>>, vector<1x1x1024x16xf32>
    %swap3A_123 = vector.shape_cast %swap3A_122 : vector<1x1x1024x16xf32> to vector<1024x16xf32>
    %swap3A_124 = vector.shape_cast %broadcast_in_dim3A_117 : vector<1024x16xf32> to vector<1x1x1024x16xf32>
    tpu.vector_store %arg7[%swap3A_118, %swap3A_119, %swap3A_120, %swap3A_121], %swap3A_124 {strides = array<i32>} : memref<1x3x1024x16xf32, #tpu.memory_space<vmem>>, vector<1x1x1024x16xf32>,
    %add3A_125 = vector.broadcast %mul3A_88 : i32 to vector<1024x1xi32>
    %add3A_126 = arith.addi %broadcast_in_dim3A_65, %add3A_125 : vector<1024x1xi32>
    %squeeze3A_127 = vector.shape_cast %add3A_126 : vector<1024x1xi32> to vector<1024xi32>
    %swap3A_128 = arith.constant 0 : index
    %swap3A_129 = arith.constant 2 : index
    %swap3A_130 = arith.constant 0 : index
    %swap3A_131 = vector.load %arg6[%swap3A_128, %swap3A_129, %swap3A_130] : memref<1x3x1024xi32, #tpu.memory_space<vmem>>, vector<1x1x1024xi32>
    %swap3A_132 = vector.shape_cast %swap3A_131 : vector<1x1x1024xi32> to vector<1024xi32>
    %swap3A_133 = vector.shape_cast %squeeze3A_127 : vector<1024xi32> to vector<1x1x1024xi32>
    tpu.vector_store %arg6[%swap3A_128, %swap3A_129, %swap3A_130], %swap3A_133 {strides = array<i32>} : memref<1x3x1024xi32, #tpu.memory_space<vmem>>, vector<1x1x1024xi32>,
    %mul3A_134 = arith.mulf %div3A_81, %div3A_86 : vector<1024x1xf32>
    %broadcast_in_dim3A_135 = vector.shape_cast %mul3A_134 : vector<1024x1xf32> to vector<1024x1xf32>
    %broadcast_in_dim3A_136 = vector.broadcast %broadcast_in_dim3A_135 : vector<1024x1xf32> to vector<1024x16xf32>
    %swap3A_137 = arith.constant 0 : index
    %swap3A_138 = arith.constant 2 : index
    %swap3A_139 = arith.constant 0 : index
    %swap3A_140 = arith.constant 0 : index
    %swap3A_141 = vector.load %arg7[%swap3A_137, %swap3A_138, %swap3A_139, %swap3A_140] : memref<1x3x1024x16xf32, #tpu.memory_space<vmem>>, vector<1x1x1024x16xf32>
    %swap3A_142 = vector.shape_cast %swap3A_141 : vector<1x1x1024x16xf32> to vector<1024x16xf32>
    %swap3A_143 = vector.shape_cast %broadcast_in_dim3A_136 : vector<1024x16xf32> to vector<1x1x1024x16xf32>
    tpu.vector_store %arg7[%swap3A_137, %swap3A_138, %swap3A_139, %swap3A_140], %swap3A_143 {strides = array<i32>} : memref<1x3x1024x16xf32, #tpu.memory_space<vmem>>, vector<1x1x1024x16xf32>,
    %get3A_144 = arith.constant 0 : index
    %get3A_145 = arith.constant 0 : index
    %get3A_146 = arith.constant 0 : index
    %get3A_147 = vector.load %arg2[%get3A_144, %get3A_145, %get3A_146] : memref<1x1024x256xf32, #tpu.memory_space<vmem>>, vector<1x1024x256xf32>
    %get3A_148 = vector.shape_cast %get3A_147 : vector<1x1024x256xf32> to vector<1024x256xf32>
    %get3A_149 = arith.constant 0 : index
    %get3A_150 = arith.constant 0 : index
    %get3A_151 = vector.load %arg4[%get3A_149, %get3A_150] : memref<256x256xf32, #tpu.memory_space<vmem>>, vector<256x256xf32>
    %dot_general3A = arith.constant dense<0.000000e+00> : vector<1024x256xf32>
    %dot_general3A_152 = tpu.matmul %get3A_148, %get3A_151, %dot_general3A {dimension_numbers = #tpu.dot_dimension_numbers<[1], [0], [0], [1], [0, 0, 1, 1], [], []>, transpose_lhs_hint = false} : vector<1024x256xf32>, vector<256x256xf32>, vector<1024x256xf32> -> vector<1024x256xf32>
    %get3A_153 = arith.constant 0 : index
    %get3A_154 = arith.constant 0 : index
    %get3A_155 = vector.load %arg5[%get3A_153, %get3A_154] : memref<1x256xf32, #tpu.memory_space<vmem>>, vector<1x256xf32>
    %add3A_156 = vector.broadcast %get3A_155 : vector<1x256xf32> to vector<1024x256xf32>
    %add3A_157 = arith.addf %dot_general3A_152, %add3A_156 : vector<1024x256xf32>
    %swap3A_158 = arith.constant 0 : index
    %swap3A_159 = arith.constant 0 : index
    %swap3A_160 = arith.constant 0 : index
    %swap3A_161 = vector.load %arg8[%swap3A_158, %swap3A_159, %swap3A_160] : memref<1x1024x256xf32, #tpu.memory_space<vmem>>, vector<1x1024x256xf32>
    %swap3A_162 = vector.shape_cast %swap3A_161 : vector<1x1024x256xf32> to vector<1024x256xf32>
    %swap3A_163 = vector.shape_cast %add3A_157 : vector<1024x256xf32> to vector<1x1024x256xf32>
    tpu.vector_store %arg8[%swap3A_158, %swap3A_159, %swap3A_160], %swap3A_163 {strides = array<i32>} : memref<1x1024x256xf32, #tpu.memory_space<vmem>>, vector<1x1024x256xf32>,
    return
  }
  func.func @transform_0(%arg0: i32) -> (i32, i32, i32) {
    %c0_i32 = arith.constant 0 : i32
    %c0_i32_0 = arith.constant 0 : i32
    %c0_i32_1 = arith.constant 0 : i32
    return %arg0, %c0_i32, %c0_i32_0 : i32, i32, i32
  }
  func.func @transform_1(%arg0: i32) -> (i32, i32, i32) {
    %c0_i32 = arith.constant 0 : i32
    %c0_i32_0 = arith.constant 0 : i32
    %c0_i32_1 = arith.constant 0 : i32
    return %arg0, %c0_i32, %c0_i32_0 : i32, i32, i32
  }
  func.func @transform_2(%arg0: i32) -> (i32, i32, i32) {
    %c0_i32 = arith.constant 0 : i32
    %c0_i32_0 = arith.constant 0 : i32
    %c0_i32_1 = arith.constant 0 : i32
    return %arg0, %c0_i32, %c0_i32_0 : i32, i32, i32
  }
  func.func @transform_3(%arg0: i32) -> (i32, i32) {
    %c0_i32 = arith.constant 0 : i32
    %c0_i32_0 = arith.constant 0 : i32
    %c0_i32_1 = arith.constant 0 : i32
    return %c0_i32, %c0_i32_0 : i32, i32
  }
  func.func @transform_4(%arg0: i32) -> (i32, i32) {
    %c0_i32 = arith.constant 0 : i32
    %c0_i32_0 = arith.constant 0 : i32
    %c0_i32_1 = arith.constant 0 : i32
    return %c0_i32, %c0_i32_0 : i32, i32
  }
  func.func @transform_5(%arg0: i32) -> (i32, i32, i32) {
    %c0_i32 = arith.constant 0 : i32
    %c0_i32_0 = arith.constant 0 : i32
    %c0_i32_1 = arith.constant 0 : i32
    return %arg0, %c0_i32, %c0_i32_0 : i32, i32, i32
  }
  func.func @transform_6(%arg0: i32) -> (i32, i32, i32, i32) {
    %c0_i32 = arith.constant 0 : i32
    %c0_i32_0 = arith.constant 0 : i32
    %c0_i32_1 = arith.constant 0 : i32
    %c0_i32_2 = arith.constant 0 : i32
    return %arg0, %c0_i32, %c0_i32_0, %c0_i32_1 : i32, i32, i32, i32
  }
  func.func @transform_7(%arg0: i32) -> (i32, i32, i32) {
    %c0_i32 = arith.constant 0 : i32
    %c0_i32_0 = arith.constant 0 : i32
    %c0_i32_1 = arith.constant 0 : i32
    return %arg0, %c0_i32, %c0_i32_0 : i32, i32, i32
  }
}

module attributes {stable_mosaic.version = 14 : i64} {
  func.func @_mlp_kernel(%arg0: i32, %arg1: memref<1x1024x512xf32, #tpu.memory_space<vmem>>, %arg2: memref<1x1024x256xf32, #tpu.memory_space<vmem>>, %arg3: memref<512x256xf32, #tpu.memory_space<vmem>>, %arg4: memref<256x256xf32, #tpu.memory_space<vmem>>, %arg5: memref<1x256xf32, #tpu.memory_space<vmem>>, %arg6: memref<1x1024x256xf32, #tpu.memory_space<vmem>>) attributes {dimension_semantics = [#tpu.dimension_semantics<arbitrary>], iteration_bounds = array<i64: 16>, scalar_prefetch = 0 : i64, scratch_operands = 0 : i64, tpu.core_type = #tpu.core_type<tc>, window_params = [{transform_indices = @transform_0, window_bounds = array<i64: 1, 1024, 512>}, {transform_indices = @transform_1, window_bounds = array<i64: 1, 1024, 256>}, {pipeline_mode = #tpu.pipeline_mode<synchronous>, transform_indices = @transform_2, window_bounds = array<i64: 512, 256>}, {pipeline_mode = #tpu.pipeline_mode<synchronous>, transform_indices = @transform_3, window_bounds = array<i64: 256, 256>}, {pipeline_mode = #tpu.pipeline_mode<synchronous>, transform_indices = @transform_4, window_bounds = array<i64: 1, 256>}, {transform_indices = @transform_5, window_bounds = array<i64: 1, 1024, 256>}]} {
    %get3A = arith.constant 0 : index
    %get3A_0 = arith.constant 0 : index
    %get3A_1 = arith.constant 0 : index
    %get3A_2 = vector.load %arg2[%get3A, %get3A_0, %get3A_1] : memref<1x1024x256xf32, #tpu.memory_space<vmem>>, vector<1x1024x256xf32>
    %get3A_3 = vector.shape_cast %get3A_2 : vector<1x1024x256xf32> to vector<1024x256xf32>
    %get3A_4 = arith.constant 0 : index
    %get3A_5 = arith.constant 0 : index
    %get3A_6 = arith.constant 0 : index
    %get3A_7 = vector.load %arg1[%get3A_4, %get3A_5, %get3A_6] : memref<1x1024x512xf32, #tpu.memory_space<vmem>>, vector<1x1024x512xf32>
    %get3A_8 = vector.shape_cast %get3A_7 : vector<1x1024x512xf32> to vector<1024x512xf32>
    %get3A_9 = arith.constant 0 : index
    %get3A_10 = arith.constant 0 : index
    %get3A_11 = vector.load %arg3[%get3A_9, %get3A_10] : memref<512x256xf32, #tpu.memory_space<vmem>>, vector<512x256xf32>
    %dot_general3A = arith.constant dense<0.000000e+00> : vector<1024x256xf32>
    %dot_general3A_12 = tpu.matmul %get3A_8, %get3A_11, %dot_general3A {dimension_numbers = #tpu.dot_dimension_numbers<[1], [0], [0], [1], [0, 0, 1, 1], [], []>, transpose_lhs_hint = false} : vector<1024x512xf32>, vector<512x256xf32>, vector<1024x256xf32> -> vector<1024x256xf32>
    %add3A = arith.addf %get3A_3, %dot_general3A_12 : vector<1024x256xf32>
    %max3A = arith.constant 0.000000e+00 : f32
    %max3A_13 = vector.broadcast %max3A : f32 to vector<1024x256xf32>
    %max3A_14 = arith.maximumf %add3A, %max3A_13 : vector<1024x256xf32>
    %get3A_15 = arith.constant 0 : index
    %get3A_16 = arith.constant 0 : index
    %get3A_17 = vector.load %arg4[%get3A_15, %get3A_16] : memref<256x256xf32, #tpu.memory_space<vmem>>, vector<256x256xf32>
    %dot_general3A_18 = arith.constant dense<0.000000e+00> : vector<1024x256xf32>
    %dot_general3A_19 = tpu.matmul %max3A_14, %get3A_17, %dot_general3A_18 {dimension_numbers = #tpu.dot_dimension_numbers<[1], [0], [0], [1], [0, 0, 1, 1], [], []>, transpose_lhs_hint = false} : vector<1024x256xf32>, vector<256x256xf32>, vector<1024x256xf32> -> vector<1024x256xf32>
    %get3A_20 = arith.constant 0 : index
    %get3A_21 = arith.constant 0 : index
    %get3A_22 = vector.load %arg5[%get3A_20, %get3A_21] : memref<1x256xf32, #tpu.memory_space<vmem>>, vector<1x256xf32>
    %add3A_23 = vector.broadcast %get3A_22 : vector<1x256xf32> to vector<1024x256xf32>
    %add3A_24 = arith.addf %dot_general3A_19, %add3A_23 : vector<1024x256xf32>
    %max3A_25 = arith.constant 0.000000e+00 : f32
    %max3A_26 = vector.broadcast %max3A_25 : f32 to vector<1024x256xf32>
    %max3A_27 = arith.maximumf %add3A_24, %max3A_26 : vector<1024x256xf32>
    %swap3A = arith.constant 0 : index
    %swap3A_28 = arith.constant 0 : index
    %swap3A_29 = arith.constant 0 : index
    %swap3A_30 = vector.load %arg6[%swap3A, %swap3A_28, %swap3A_29] : memref<1x1024x256xf32, #tpu.memory_space<vmem>>, vector<1x1024x256xf32>
    %swap3A_31 = vector.shape_cast %swap3A_30 : vector<1x1024x256xf32> to vector<1024x256xf32>
    %swap3A_32 = vector.shape_cast %max3A_27 : vector<1024x256xf32> to vector<1x1024x256xf32>
    tpu.vector_store %arg6[%swap3A, %swap3A_28, %swap3A_29], %swap3A_32 {strides = array<i32>} : memref<1x1024x256xf32, #tpu.memory_space<vmem>>, vector<1x1024x256xf32>,
    return
  }
  func.func @transform_0(%arg0: i32) -> (i32, i32, i32) {
    %c0_i32 = arith.constant 0 : i32
    %c0_i32_0 = arith.constant 0 : i32
    %c0_i32_1 = arith.constant 0 : i32
    return %arg0, %c0_i32, %c0_i32_0 : i32, i32, i32
  }
  func.func @transform_1(%arg0: i32) -> (i32, i32, i32) {
    %c0_i32 = arith.constant 0 : i32
    %c0_i32_0 = arith.constant 0 : i32
    %c0_i32_1 = arith.constant 0 : i32
    return %arg0, %c0_i32, %c0_i32_0 : i32, i32, i32
  }
  func.func @transform_2(%arg0: i32) -> (i32, i32) {
    %c0_i32 = arith.constant 0 : i32
    %c0_i32_0 = arith.constant 0 : i32
    %c0_i32_1 = arith.constant 0 : i32
    return %c0_i32, %c0_i32_0 : i32, i32
  }
  func.func @transform_3(%arg0: i32) -> (i32, i32) {
    %c0_i32 = arith.constant 0 : i32
    %c0_i32_0 = arith.constant 0 : i32
    %c0_i32_1 = arith.constant 0 : i32
    return %c0_i32, %c0_i32_0 : i32, i32
  }
  func.func @transform_4(%arg0: i32) -> (i32, i32) {
    %c0_i32 = arith.constant 0 : i32
    %c0_i32_0 = arith.constant 0 : i32
    %c0_i32_1 = arith.constant 0 : i32
    return %c0_i32, %c0_i32_0 : i32, i32
  }
  func.func @transform_5(%arg0: i32) -> (i32, i32, i32) {
    %c0_i32 = arith.constant 0 : i32
    %c0_i32_0 = arith.constant 0 : i32
    %c0_i32_1 = arith.constant 0 : i32
    return %arg0, %c0_i32, %c0_i32_0 : i32, i32, i32
  }
}

</mosaic_0001>

<sc_bundles>
// kernel: kernel.5.cloned.1.call-start
scs
__scs_entry_jumppad:
0x0: {  	(pc) =	sbr.rel $0x88, $3  }
0x1: {  	(tag) =	ssettag $0x0;
	lr =	simm.s32 $0x1  }
0x2: {  	[smem:$0x3F99] =	sst lr;
	_ =	strace $0xD0000000  }
0x3: {  	_ = 	snop  }
0x4: {  	_ = 	snop  }
0x5: {  	_ = 	snop  }
0x6: {  	_ = 	snop  }
0x7: {  	_ = 	snop  }
__scs_overlays_trampoline_lowered:
0x8: {  	[smem:$0x3FA8] =	sst s0  }
0x9: {  	[smem:$0x3FA9] =	sst s1  }
0xa: {  	[smem:$0x3FAA] =	sst s2  }
0xb: {  	[smem:$0x3FAB] =	sst s3  }
0xc: {  	[smem:$0x3FAC] =	sst s4  }
0xd: {  	[smem:$0x3FAD] =	sst s5  }
0xe: {  	[smem:$0x3FAE] =	sst s6  }
0xf: {  	[smem:$0x3FAF] =	sst s7  }
0x10: {  	[smem:$0x3FB0] =	sst s8  }
0x11: {  	[smem:$0x3FB1] =	sst s9;
	s0 =	simm.s32 @!p0 $0x0  }
0x12: {  	s1 =	sld [smem:$0x3F97];
	s0 =	simm.s32 @p0 $0x1  }
0x13: {  	[smem:$0x3FB2] =	sst s0;
	s0 =	simm.s32 @!p1 $0x0  }
0x14: {  	s2 =	sld [smem:$0x3F96];
	s0 =	simm.s32 @p1 $0x1  }
0x15: {  	[smem:$0x3FB3] =	sst s0;
	s0 =	simm.s32 @!p2 $0x0  }
0x16: {  	s3 =	sld [smem:$0x3FDB];
	s0 =	simm.s32 @p2 $0x1  }
0x17: {  	s4 =	simm.s32 $0x1BF5;
	[smem:$0x3FB5] =	sst s0  }
0x18: {  	s0 =	sld [smem:$0x3F98];
	_ =	swait.ge [sflag:s4], $0x0  }
0x19: {  	s7 =	sld [smem:$0x3F99]  }
0x1a: {  	s8 =	sadd.s32 $0xFFFFE003, lr  }
0x1b: {  	s9 =	sadd.s32 $0xFFFFFEF7, lr;
	s5 =	simm.s32 $0xFFFFFFFF;
	p2 =	slt.u32 s8, $0xFFFFF086  }
0x1c: {  	p1 =	slt.u32 s9, $0xF7A;
	s5 =	simm.s32 @!p2 $0x0  }
0x1d: {  	s5 =	simm.s32 @p1 $0x1;
	p0 =	seq.s32 s7, s2  }
0x1e: {  	s7 =	smul.u32 @!p0 $0xF7A, s2;
	p2 =	seq.s32 @!p0 s5, $0x0  }
0x1f: {  	s9 =	smul.u32 $0xF7A, s1;
	s8 =	simm.s32 @!p0 $0x1BF5;
	p2 =	por !p2, p0  }
0x20: {  	[sflag:s8] =	ssyncset.s32 @!p0 $0xFFFFF086;
	s6 =	sadd.s32 @!p0 s3, s7;
	s7 =	simm.s32 @!p0 $0x108  }
0x21: {  	s3 =	sadd.s32 s3, s9;
	s6 =	sadd.s32 @!p0 $0x88, s6;
	s7 =	simm.s32 @p2 $0x1082  }
0x22: {  	[simem:s7], [sflag:s8] =	dma.local @!p0 [hbm:s6], $0xF7A  }
0x23: {  	s9 =	sor.u32 $0xD0000000, s2;
	s6 =	simm.s32 $0x108;
	_ =	swait.ge @!p0 [sflag:s8], $0x0  }
0x24: {  	s3 =	sadd.s32 $0x88, s3;
	s6 =	simm.s32 @!p1 $0x1082;
	[sflag:s4] =	ssyncset.s32 $0xFFFFF086  }
0x25: {  	[simem:s6], [sflag:s4] =	dma.local [hbm:s3], $0xF7A  }
0x26: {  	[smem:$0x3F99] =	sst s1;
	(tag) =	ssettag s2;
	_ =	strace s9  }
0x27: {  	s1 =	sld [smem:$0x3FA9]  }
0x28: {  	s2 =	sld [smem:$0x3FAA]  }
0x29: {  	s4 =	sld [smem:$0x3FAC]  }
0x2a: {  	p0 =	seq.s32 s5, $0x0;
	s5 =	sld [smem:$0x3FAD]  }
0x2b: {  	s6 =	sld [smem:$0x3FAE]  }
0x2c: {  	s7 =	sld [smem:$0x3FAF]  }
0x2d: {  	s3 =	simm.s32 $0x108;
	s8 =	sld [smem:$0x3FB0]  }
0x2e: {  	s3 =	simm.s32 @!p0 $0x1082;
	s9 =	sld [smem:$0x3FB1]  }
0x2f: {  	lr =	sadd.s32 s0, s3;
	s0 =	sld [smem:$0x3FA8]  }
0x30: {  	s3 =	sld [smem:$0x3FAB]  }
0x31: {  	[smem:$0x3FB4] =	sst s10  }
0x32: {  	s10 =	sld [smem:$0x3FB2];
	_ =	sdelay $0x3  }
0x33: {  	p0 =	seq.s32 s10, $0x1;
	s10 =	sld [smem:$0x3FB4];
	_ =	sdelay $0x3  }
0x34: {  	[smem:$0x3FB4] =	sst s10  }
0x35: {  	s10 =	sld [smem:$0x3FB3];
	_ =	sdelay $0x3  }
0x36: {  	p1 =	seq.s32 s10, $0x1;
	s10 =	sld [smem:$0x3FB4];
	_ =	sdelay $0x3  }
0x37: {  	[smem:$0x3FB4] =	sst s10  }
0x38: {  	s10 =	sld [smem:$0x3FB5]  }
0x39: {  	_ = 	snop;
	(pc) =	sbr.ind lr, $3  }
0x3a: {  	_ = 	snop  }
0x3b: {  	_ = 	snop  }
0x3c: {  	p2 =	seq.s32 s10, $0x1;
	s10 =	sld [smem:$0x3FB4]  }
0x3d: {  	_ =	shalt  }
0x3e: {  	_ =	shalt  }
0x3f: {  	_ =	shalt  }
0x40: {  	_ =	shalt  }
0x41: {  	_ =	shalt  }
0x42: {  	_ =	shalt  }
0x43: {  	_ =	shalt  }
0x44: {  	_ =	shalt  }
0x45: {  	_ =	shalt  }
0x46: {  	_ =	shalt  }
0x47: {  	_ =	shalt  }
0x48: {  	_ =	shalt  }
0x49: {  	_ =	shalt  }
0x4a: {  	_ =	shalt  }
0x4b: {  	_ =	shalt  }
0x4c: {  	_ =	shalt  }
0x4d: {  	_ =	shalt  }
0x4e: {  	_ =	shalt  }
0x4f: {  	_ =	shalt  }
0x50: {  	_ =	shalt  }
0x51: {  	_ =	shalt  }
0x52: {  	_ =	shalt  }
0x53: {  	_ =	shalt  }
0x54: {  	_ =	shalt  }
0x55: {  	_ =	shalt  }
0x56: {  	_ =	shalt  }
0x57: {  	_ =	shalt  }
0x58: {  	_ =	shalt  }
0x59: {  	_ =	shalt  }
0x5a: {  	_ =	shalt  }
0x5b: {  	_ =	shalt  }
0x5c: {  	_ =	shalt  }
0x5d: {  	_ =	shalt  }
0x5e: {  	_ =	shalt  }
0x5f: {  	_ =	shalt  }
0x60: {  	_ =	shalt  }
0x61: {  	_ =	shalt  }
0x62: {  	_ =	shalt  }
0x63: {  	_ =	shalt  }
0x64: {  	_ =	shalt  }
0x65: {  	_ =	shalt  }
0x66: {  	_ =	shalt  }
0x67: {  	_ =	shalt  }
0x68: {  	_ =	shalt  }
0x69: {  	_ =	shalt  }
0x6a: {  	_ =	shalt  }
0x6b: {  	_ =	shalt  }
0x6c: {  	_ =	shalt  }
0x6d: {  	_ =	shalt  }
0x6e: {  	_ =	shalt  }
0x6f: {  	_ =	shalt  }
0x70: {  	_ =	shalt  }
0x71: {  	_ =	shalt  }
0x72: {  	_ =	shalt  }
0x73: {  	_ =	shalt  }
0x74: {  	_ =	shalt  }
0x75: {  	_ =	shalt  }
0x76: {  	_ =	shalt  }
0x77: {  	_ =	shalt  }
0x78: {  	_ =	shalt  }
0x79: {  	_ =	shalt  }
0x7a: {  	_ =	shalt  }
0x7b: {  	_ =	shalt  }
0x7c: {  	_ =	shalt  }
0x7d: {  	_ =	shalt  }
0x7e: {  	_ =	shalt  }
0x7f: {  	_ =	shalt  }
0x80: {  	_ =	shalt  }
0x81: {  	_ =	shalt  }
0x82: {  	_ =	shalt  }
0x83: {  	_ =	shalt  }
0x84: {  	_ =	shalt  }
0x85: {  	_ =	shalt  }
0x86: {  	_ =	shalt  }
0x87: {  	_ =	shalt  }
.Lfunc_end0:
.L_simem_size_0:
called_computation_lowered:
.L_overlay_start_0:
0x88: {  	s2 =	sld [smem:$0x3FD9]  }
0x89: {  	s3 =	sld [smem:$0x3FFE];
	_ =	sdelay $0x1  }
0x8a: {  	s1 =	srdreg.scid  }
0x8b: {  	s0 =	sand.u32 $0x1, s1  }
0x8c: {  	s17 =	sshll.u32 s0, $0xA;
	s2 =	sadd.s32 s3, s2  }
0x8d: {  	s2 =	sadd.s32 s2, s17  }
0x8e: {  	[smem:$0x3FC0] =	sst s2  }
0x8f: {  	_ = 	snop  }
0x90: {  	s2 =	sld [smem:$0x3FC6];
	(tm) =	ssettm $0x1  }
0x91: {  	s18 =	sld [smem:$0x3FFB];
	_ =	sdelay $0x3  }
0x92: {  	_ =	strace s18  }
0x93: {  	s3 =	sld [smem:$0x3FFC];
	_ =	sdelay $0x3  }
0x94: {  	_ =	strace s3  }
0x95: {  	s3 =	sld [smem:$0x3FFD];
	_ =	sdelay $0x3  }
0x96: {  	_ =	strace s3  }
0x97: {  	_ =	strace $0x8FFFFFFF  }
0x98: {  	s19 =	sld [smem:$0x3FDB];
	_ =	sdelay $0x1  }
0x99: {  	s4 =	simm.s32 $_scs_section_size  }
0x9a: {  	s5 =	simm.s32 $_size__tile_overlayer_lowered;
	s6 =	simm.s32 $_tile_overlayer_lowered  }
0x9b: {  	s22 =	simm.s32 $0x1BFF;
	s21 =	sshll.u32 s6, $0x1;
	s3 =	sadd.s32 s4, s19  }
0x9c: {  	s7 =	simm.s32 $0x0;
	s20 =	sshll.u32 s5, $0x1;
	s5 =	sadd.s32 s21, s3  }
0x9d: {  	[timem:s7], [sflag:s22] =	dma.local [hbm:s5], s20  }
0x9e: {  	_ =	swait.ge [sflag:s22], s20  }
0x9f: {  	s4 =	ssub.s32 $0x0, s20;
	[sflag:s22] =	ssyncset.done $0x0  }
0xa0: {  	[sflag:s22] =	ssyncadd.s32 s4;
	_ =	sdelay $0x1  }
0xa1: {  	s23 =	simm.s32 $0x1B8B  }
0xa2: {  	_ =	swait.ge [sflag:s23], $0x1  }
0xa3: {  	[sflag:s23] =	ssyncset.done $0x0  }
0xa4: {  	s25 =	simm.s32 $0x1B8E;
	s24 =	sld [smem:$0x3FFE];
	[sflag:s23] =	ssyncadd.s32 $0xFFFFFFFF  }
0xa5: {  	s26 =	simm.s32 $execute0_lowered;
	[smem:$0x3FD2] =	sst s25  }
0xa6: {  	s5 =	sshll.u32 s26, $0x1;
	_ =	strace $0x80000046;
	[dreg:$0x1] =	wrdreg $0xFFFFFFFF  }
0xa7: {  	s28 =	simm.s32 $_size_execute0_lowered;
	s3 =	sadd.s32 s3, s5;
	[dreg:$0x0] =	wrdreg $0x0  }
0xa8: {  	s5 =	sshll.u32 s28, $0x1;
	[dreg:$0x2] =	wrdreg s3  }
0xa9: {  	[dreg:$0x3] =	wrdreg s5  }
0xaa: {  	[dreg:$0x4] =	wrdreg $0xC0  }
0xab: {  	_ =	task [dreg:s7], $0x5FFFF  }
0xac: {  	[dreg:$0x1] =	wrdreg $0xFFFFFFFF  }
0xad: {  	[dreg:$0x0] =	wrdreg $0x60  }
0xae: {  	[dreg:$0x2] =	wrdreg s2  }
0xaf: {  	[dreg:$0x3] =	wrdreg s24  }
0xb0: {  	[dreg:$0x4] =	wrdreg $0x9  }
0xb1: {  	_ =	task.clear_ibuf [dreg:s7], $0x5FFFF;
	_ =	strace $0x90000046  }
0xb2: {  	s29 =	simm.s32 $0x9;
	_ =	strace $0x80000048  }
0xb3: {  	_ =	swait.ge [sflag:s29], $0x1  }
0xb4: {  	[sflag:s29] =	ssyncadd.s32 $0xFFFFFFFF  }
0xb5: {  	_ =	strace $0x90000048  }
0xb6: {  	_ =	sfence  }
0xb7: {  	s30 =	sld [smem:$0x0];
	_ =	sdelay $0x2  }
0xb8: {  	s31 =	sshll.u32 s1, $0xD;
	s1 =	sshrl.u32 s1, $0x2  }
0xb9: {  	s3 =	sand.u32 $0x4000, s31;
	s1 =	sadd.s32 s1, s30  }
0xba: {  	s0 =	sor.u32 s3, s0;
	s1 =	sshll.u32 s1, $0x11  }
0xbb: {  	s0 =	sor.u32 s1, s0  }
0xbc: {  	s0 =	sadd.s32 $0x8F2B, s0  }
0xbd: {  	[sflag:s0] =	ssyncadd.remote.s32 $0x1  }
0xbe: {  	_ =	sfence.sel $0xFFFF  }
0xbf: {  	[dreg:$0x0] =	wrdreg $0xFFFFFFFF;
	(pc) =	sbr.abs _section_cstart, $3  }
0xc0: {  	[dreg:$0x1] =	wrdreg $0xFFFFFFFF  }
0xc1: {  	_ =	task.clear_ibuf [dreg:s7], $0x2FFFF;
	_ =	strace $0x9FFFFFFF  }
0xc2: {  	(tm) =	ssettm $0x7FFFFFFF  }
0xc3: {  	_ =	shalt  }
tec
execute0_lowered:
.L_overlay_start_1:
0x0: {  	(tag) =	ssettag $0x1  }
0x1: {  	s0 =	srdreg.scid;
	s2 =	rddreg [dreg:$0x0]  }
0x2: {  	s9 =	stileid.u32;
	s1 =	rddreg [dreg:$0x1]  }
0x3: {  	s5 =	simm.s32 $0x0;
	s16 =	simm.s32 $0x4;
	s20 =	simm.s32 $0x8180  }
0x4: {  	s21 =	simm.s32 $0x8980;
	s22 =	simm.s32 $0x9180;
	s23 =	simm.s32 $0x9980  }
0x5: {  	s24 =	simm.s32 $0xA180;
	s25 =	simm.s32 $0xA980;
	s26 =	simm.s32 $0xB180  }
0x6: {  	s28 =	simm.s32 $0xB980;
	s29 =	simm.s32 $0x2;
	s30 =	simm.s32 $0x3  }
0x7: {  	s31 =	simm.s32 $0xF180;
	s0 =	sand.u32 $0x1, s0;
	s3 =	sshll.u32 s9, $0xA  }
0x8: {  	[smem:$0x7FF] =	sst s5;
	s5 =	sadd.s32 $0xC1200, s1;
	s6 =	sadd.s32 $0x1200, s1  }
0x9: {  	s7 =	sadd.s32 $0xC3200, s1;
	s11 =	sadd.s32 $0xC1210, s1;
	s4 =	sshll.u32 s0, $0x9  }
0xa: {  	s12 =	sadd.s32 $0xC1220, s1;
	s14 =	sadd.s32 $0x100, s2;
	s4 =	sor.u32 s4, s3  }
0xb: {  	p1 =	seq.s32 s0, $0x1;
	s0 =	ssub.s32 $0x2, s0;
	p0 =	seq.s32 s4, $0x0  }
0xc: {  	s1 =	simm.s32 $0x0;
	s8 =	sshrl.u32 s0, $0x1;
	p0 =	por !p0, !p1  }
0xd: {  	s3 =	simm.s32 $0x1;
	s0 =	ssub.s32 s0, s8;
	p0 =	por !p0, !p0  }
0xe: {  	v2 =	vlaneseq.u32;
	_ =	strace $0x80000047;
	s0 =	smax.u32 s0, $0x1;
	s3 =	simm.s32 @!p0 $0x0  }
0xf: {  	vm0 =	vmmov $0xffff;
	v1 =	vshrl.u32 v2, $0x3;
	s8 =	simm.s32 $0x1;
	[dreg:$0x3] =	wrdreg s0;
	s3 =	ssub.s32 s9, s3  }
0x10: {  	v0 =	vand.u32 $0x7, v2;
	v2 =	vor.u32 $0x8, v2;
	v1 =	vmul.u32 $0x8, v1;
	s9 =	sshll.u32 s3, $0xA;
	s10 =	sshll.u32 s3, $0xC;
	s13 =	smul.u32 $0x60000, s3  }
.LBB2_1:
0x11: {  	[dreg:$0x4] =	wrdreg s1;
	s1 =	simm.s32 $0x0  }
.LBB2_2:
0x12: {  	s3 =	sshll.u32 s1, $0x5  }
0x13: {  	s0 =	sor.u32 s4, s3  }
0x14: {  	s17 =	ssub.s32 s0, s9  }
0x15: {  	s15 =	sshll.u32 s17, $0x2  }
0x16: {  	s15 =	sand.u32 $0xFFFFFE00, s15  }
0x17: {  	s3 =	sand.u32 $0x60, s3;
	s15 =	sadd.s32 s10, s15  }
0x18: {  	s3 =	sor.u32 s3, s15  }
0x19: {  	s3 =	sshrl.u32 s3, $0x3  }
0x1a: {  	s15 =	simm.s32 $0x0;
	s18 =	sadd.s32 s5, s3  }
0x1b: {  	[tilespmem:s15], [sflag:$0x4] =	stream.linear.gather [hbm4b:s18+s15], $0x20, $0x38;
	[tilespmem:$0x13180] =	vst v63  }
0x1c: {  	_ =	swait.ge [sflag:s16], $0x20  }
0x1d: {  	[sflag:s16] =	ssyncset.done $0x0  }
0x1e: {  	s19 =	simm.s32 $0x80;
	s18 =	sadd.s32 s3, s11;
	[sflag:s16] =	ssyncadd.s32 $0xFFFFFFE0  }
0x1f: {  	[tilespmem:s19], [sflag:$0x4] =	stream.linear.gather [hbm4b:s18+s15], $0x20, $0x38;
	[tilespmem:$0x13180] =	vst v63  }
0x20: {  	_ =	swait.ge [sflag:s16], $0x20  }
0x21: {  	s3 =	sadd.s32 s3, s12;
	[sflag:s16] =	ssyncset.done $0x0  }
0x22: {  	s19 =	simm.s32 $0x100;
	s18 =	sshll.u32 s17, $0x7;
	[sflag:s16] =	ssyncadd.s32 $0xFFFFFFE0  }
0x23: {  	[tilespmem:s19], [sflag:$0x4] =	stream.linear.gather [hbm4b:s3+s15], $0x20, $0x38;
	[tilespmem:$0x13180] =	vst v63  }
0x24: {  	s17 =	simm.s32 $0x1000;
	s3 =	sadd.s32 s13, s18;
	_ =	swait.ge [sflag:s16], $0x20  }
0x25: {  	s18 =	simm.s32 $0x20000;
	s3 =	sshrl.u32 s3, $0x3;
	[sflag:s16] =	ssyncset.done $0x0  }
0x26: {  	s19 =	simm.s32 $0xC180;
	s3 =	sadd.s32 s6, s3;
	[sflag:s16] =	ssyncadd.s32 $0xFFFFFFE0  }
0x27: {  	[tilespmem:s19], [sflag:$0x4] =	stream.strided.gather [hbm4b:s3+s17], $0x3000, s18, s17, $0x38;
	[tilespmem:$0x13180] =	vst v63  }
0x28: {  	_ =	swait.ge [sflag:s16], $0x3000  }
0x29: {  	[sflag:s16] =	ssyncset.done $0x0  }
0x2a: {  	[sflag:s16] =	ssyncadd.s32 $0xFFFFD000  }
0x2b: {  	v3 =	vld [tilespmem:$0x0];
	_ =	sdelay $0x4  }
0x2c: {  	v4 =	vshll.u32 v3, $0x2  }
0x2d: {  	v3 =	vand.u32 $0x7, v3;
	v4 =	vand.u32 $0xFFFFFFE0, v4  }
0x2e: {  	v3 =	vor.u32 v3, v4  }
0x2f: {  	v4 =	vperm.xlane v3, v0;
	_ =	sdelay $0x1  }
0x30: {  	v4 =	vadd.s32 v1, v4;
	_ =	sdelay $0x1  }
0x31: {  	v3 =	vperm.xlane v3, v2;
	_ =	sdelay $0x1  }
0x32: {  	s19 =	simm.s32 $0x180;
	v3 =	vadd.s32 v1, v3  }
0x33: {  	[tilespmem:s19], [sflag:$0x1] =	stream.indirect_vreg.gather [hbm4b:s2+s15], $0x80, v4, vm0, $0xb8;
	[tilespmem:$0x13180] =	vst v63  }
0x34: {  	s17 =	simm.s32 $0x980  }
0x35: {  	[tilespmem:s17], [sflag:$0x1] =	stream.indirect_vreg.gather [hbm4b:s14+s15], $0x80, v4, vm0, $0xb8;
	[tilespmem:$0x13180] =	vst v63  }
0x36: {  	s18 =	simm.s32 $0x1180  }
0x37: {  	[tilespmem:s18], [sflag:$0x1] =	stream.indirect_vreg.gather [hbm4b:s2+s15], $0x80, v3, vm0, $0xb8;
	[tilespmem:$0x13180] =	vst v63  }
0x38: {  	s19 =	simm.s32 $0x1980  }
0x39: {  	[tilespmem:s19], [sflag:$0x1] =	stream.indirect_vreg.gather [hbm4b:s14+s15], $0x80, v3, vm0, $0xb8;
	[tilespmem:$0x13180] =	vst v63  }
0x3a: {  	v3 =	vld [tilespmem:$0x10];
	_ =	sdelay $0x4  }
0x3b: {  	v59 =	vshll.u32 v3, $0x2  }
0x3c: {  	v3 =	vand.u32 $0x7, v3;
	v4 =	vand.u32 $0xFFFFFFE0, v59  }
0x3d: {  	v3 =	vor.u32 v3, v4  }
0x3e: {  	v4 =	vperm.xlane v3, v0;
	_ =	sdelay $0x1  }
0x3f: {  	v4 =	vadd.s32 v1, v4;
	_ =	sdelay $0x1  }
0x40: {  	v3 =	vperm.xlane v3, v2;
	_ =	sdelay $0x1  }
0x41: {  	s17 =	simm.s32 $0x2180;
	v3 =	vadd.s32 v1, v3  }
0x42: {  	[tilespmem:s17], [sflag:$0x1] =	stream.indirect_vreg.gather [hbm4b:s2+s15], $0x80, v4, vm0, $0xb8;
	[tilespmem:$0x13180] =	vst v63  }
0x43: {  	s18 =	simm.s32 $0x2980  }
0x44: {  	[tilespmem:s18], [sflag:$0x1] =	stream.indirect_vreg.gather [hbm4b:s14+s15], $0x80, v4, vm0, $0xb8;
	[tilespmem:$0x13180] =	vst v63  }
0x45: {  	s19 =	simm.s32 $0x3180  }
0x46: {  	[tilespmem:s19], [sflag:$0x1] =	stream.indirect_vreg.gather [hbm4b:s2+s15], $0x80, v3, vm0, $0xb8;
	[tilespmem:$0x13180] =	vst v63  }
0x47: {  	s17 =	simm.s32 $0x3980  }
0x48: {  	[tilespmem:s17], [sflag:$0x1] =	stream.indirect_vreg.gather [hbm4b:s14+s15], $0x80, v3, vm0, $0xb8;
	[tilespmem:$0x13180] =	vst v63  }
0x49: {  	v3 =	vld [tilespmem:$0x80];
	_ =	sdelay $0x4  }
0x4a: {  	v60 =	vshll.u32 v3, $0x2  }
0x4b: {  	v3 =	vand.u32 $0x7, v3;
	v4 =	vand.u32 $0xFFFFFFE0, v60  }
0x4c: {  	v3 =	vor.u32 v3, v4  }
0x4d: {  	v4 =	vperm.xlane v3, v0;
	_ =	sdelay $0x1  }
0x4e: {  	v4 =	vadd.s32 v1, v4;
	_ =	sdelay $0x1  }
0x4f: {  	v3 =	vperm.xlane v3, v2;
	_ =	sdelay $0x1  }
0x50: {  	s18 =	simm.s32 $0x4180;
	v3 =	vadd.s32 v1, v3  }
0x51: {  	[tilespmem:s18], [sflag:$0x2] =	stream.indirect_vreg.gather [hbm4b:s2+s15], $0x80, v4, vm0, $0xb8;
	[tilespmem:$0x13180] =	vst v63  }
0x52: {  	s19 =	simm.s32 $0x4980  }
0x53: {  	[tilespmem:s19], [sflag:$0x2] =	stream.indirect_vreg.gather [hbm4b:s14+s15], $0x80, v4, vm0, $0xb8;
	[tilespmem:$0x13180] =	vst v63  }
0x54: {  	s17 =	simm.s32 $0x5180  }
0x55: {  	[tilespmem:s17], [sflag:$0x2] =	stream.indirect_vreg.gather [hbm4b:s2+s15], $0x80, v3, vm0, $0xb8;
	[tilespmem:$0x13180] =	vst v63  }
0x56: {  	s18 =	simm.s32 $0x5980  }
0x57: {  	[tilespmem:s18], [sflag:$0x2] =	stream.indirect_vreg.gather [hbm4b:s14+s15], $0x80, v3, vm0, $0xb8;
	[tilespmem:$0x13180] =	vst v63  }
0x58: {  	v3 =	vld [tilespmem:$0x90];
	_ =	sdelay $0x4  }
0x59: {  	v61 =	vshll.u32 v3, $0x2  }
0x5a: {  	v3 =	vand.u32 $0x7, v3;
	v4 =	vand.u32 $0xFFFFFFE0, v61  }
0x5b: {  	v3 =	vor.u32 v3, v4  }
0x5c: {  	v4 =	vperm.xlane v3, v0;
	_ =	sdelay $0x1  }
0x5d: {  	v4 =	vadd.s32 v1, v4;
	_ =	sdelay $0x1  }
0x5e: {  	v3 =	vperm.xlane v3, v2;
	_ =	sdelay $0x1  }
0x5f: {  	s19 =	simm.s32 $0x6180;
	v3 =	vadd.s32 v1, v3  }
0x60: {  	[tilespmem:s19], [sflag:$0x2] =	stream.indirect_vreg.gather [hbm4b:s2+s15], $0x80, v4, vm0, $0xb8;
	[tilespmem:$0x13180] =	vst v63  }
0x61: {  	s17 =	simm.s32 $0x6980  }
0x62: {  	[tilespmem:s17], [sflag:$0x2] =	stream.indirect_vreg.gather [hbm4b:s14+s15], $0x80, v4, vm0, $0xb8;
	[tilespmem:$0x13180] =	vst v63  }
0x63: {  	s18 =	simm.s32 $0x7180  }
0x64: {  	[tilespmem:s18], [sflag:$0x2] =	stream.indirect_vreg.gather [hbm4b:s2+s15], $0x80, v3, vm0, $0xb8;
	[tilespmem:$0x13180] =	vst v63  }
0x65: {  	s19 =	simm.s32 $0x7980  }
0x66: {  	[tilespmem:s19], [sflag:$0x2] =	stream.indirect_vreg.gather [hbm4b:s14+s15], $0x80, v3, vm0, $0xb8;
	[tilespmem:$0x13180] =	vst v63  }
0x67: {  	v3 =	vld [tilespmem:$0x100];
	_ =	sdelay $0x4  }
0x68: {  	v62 =	vshll.u32 v3, $0x2  }
0x69: {  	v3 =	vand.u32 $0x7, v3;
	v4 =	vand.u32 $0xFFFFFFE0, v62  }
0x6a: {  	v3 =	vor.u32 v3, v4  }
0x6b: {  	v4 =	vperm.xlane v3, v0;
	_ =	sdelay $0x1  }
0x6c: {  	v4 =	vadd.s32 v1, v4;
	_ =	sdelay $0x1  }
0x6d: {  	v3 =	vperm.xlane v3, v2;
	_ =	sdelay $0x1  }
0x6e: {  	v3 =	vadd.s32 v1, v3  }
0x6f: {  	[tilespmem:s20], [sflag:$0x3] =	stream.indirect_vreg.gather [hbm4b:s2+s15], $0x80, v4, vm0, $0xb8;
	[tilespmem:$0x13180] =	vst v63  }
0x70: {  	_ = 	snop  }
0x71: {  	[tilespmem:s21], [sflag:$0x3] =	stream.indirect_vreg.gather [hbm4b:s14+s15], $0x80, v4, vm0, $0xb8;
	[tilespmem:$0x13180] =	vst v63  }
0x72: {  	_ = 	snop  }
0x73: {  	[tilespmem:s22], [sflag:$0x3] =	stream.indirect_vreg.gather [hbm4b:s2+s15], $0x80, v3, vm0, $0xb8;
	[tilespmem:$0x13180] =	vst v63  }
0x74: {  	_ = 	snop  }
0x75: {  	[tilespmem:s23], [sflag:$0x3] =	stream.indirect_vreg.gather [hbm4b:s14+s15], $0x80, v3, vm0, $0xb8;
	[tilespmem:$0x13180] =	vst v63  }
0x76: {  	v3 =	vld [tilespmem:$0x110];
	_ =	sdelay $0x4  }
0x77: {  	v63 =	vshll.u32 v3, $0x2  }
0x78: {  	v3 =	vand.u32 $0x7, v3;
	v4 =	vand.u32 $0xFFFFFFE0, v63  }
0x79: {  	v3 =	vor.u32 v3, v4  }
0x7a: {  	v4 =	vperm.xlane v3, v0;
	_ =	sdelay $0x1  }
0x7b: {  	v4 =	vadd.s32 v1, v4;
	_ =	sdelay $0x1  }
0x7c: {  	v3 =	vperm.xlane v3, v2;
	_ =	sdelay $0x1  }
0x7d: {  	v3 =	vadd.s32 v1, v3  }
0x7e: {  	[tilespmem:s24], [sflag:$0x3] =	stream.indirect_vreg.gather [hbm4b:s2+s15], $0x80, v4, vm0, $0xb8;
	[tilespmem:$0x13180] =	vst v63  }
0x7f: {  	_ = 	snop  }
0x80: {  	[tilespmem:s25], [sflag:$0x3] =	stream.indirect_vreg.gather [hbm4b:s14+s15], $0x80, v4, vm0, $0xb8;
	[tilespmem:$0x13180] =	vst v63  }
0x81: {  	_ = 	snop  }
0x82: {  	[tilespmem:s26], [sflag:$0x3] =	stream.indirect_vreg.gather [hbm4b:s2+s15], $0x80, v3, vm0, $0xb8;
	[tilespmem:$0x13180] =	vst v63  }
0x83: {  	_ = 	snop  }
0x84: {  	[tilespmem:s28], [sflag:$0x3] =	stream.indirect_vreg.gather [hbm4b:s14+s15], $0x80, v3, vm0, $0xb8;
	[tilespmem:$0x13180] =	vst v63  }
0x85: {  	_ =	swait.ge [sflag:s8], $0x4000  }
0x86: {  	[sflag:s8] =	ssyncset.done $0x0  }
0x87: {  	[sflag:s8] =	ssyncadd.s32 $0xFFFFC000  }
0x88: {  	_ =	swait.ge [sflag:s29], $0x4000  }
0x89: {  	[sflag:s29] =	ssyncset.done $0x0  }
0x8a: {  	[sflag:s29] =	ssyncadd.s32 $0xFFFFC000  }
0x8b: {  	_ =	swait.ge [sflag:s30], $0x4000  }
0x8c: {  	[sflag:s30] =	ssyncset.done $0x0  }
0x8d: {  	s3 =	simm.s32 $0x0;
	[sflag:s30] =	ssyncadd.s32 $0xFFFFC000  }
.LBB2_3:
0x8e: {  	s17 =	sshra.s32 s15, $0x2  }
0x8f: {  	v5 =	vld [tilespmem:s17+$0xC180]  }
0x90: {  	s18 =	sand.u32 $0x3000, s15;
	s19 =	sand.u32 $0x380, s3;
	v4 =	vld [tilespmem:s17+$0xD180]  }
0x91: {  	v3 =	vld [tilespmem:s17+$0xE180];
	s19 =	sor.u32 s19, s18  }
0x92: {  	v6 =	vld [tilespmem:s19+$0x180]  }
0x93: {  	v7 =	vld [tilespmem:s19+$0x4180]  }
0x94: {  	v8 =	vld [tilespmem:s19+$0x8180]  }
0x95: {  	v9 =	vld [tilespmem:s19+$0x190]  }
0x96: {  	v10 =	vld [tilespmem:s19+$0x4190]  }
0x97: {  	v11 =	vld [tilespmem:s19+$0x8190]  }
0x98: {  	v12 =	vld [tilespmem:s19+$0x1A0]  }
0x99: {  	v13 =	vld [tilespmem:s19+$0x41A0]  }
0x9a: {  	v14 =	vld [tilespmem:s19+$0x81A0]  }
0x9b: {  	v15 =	vld [tilespmem:s19+$0x1B0]  }
0x9c: {  	v16 =	vld [tilespmem:s19+$0x41B0]  }
0x9d: {  	v17 =	vld [tilespmem:s19+$0x81B0]  }
0x9e: {  	v18 =	vld [tilespmem:s19+$0x1C0]  }
0x9f: {  	v19 =	vld [tilespmem:s19+$0x41C0]  }
0xa0: {  	v20 =	vld [tilespmem:s19+$0x81C0]  }
0xa1: {  	v21 =	vld [tilespmem:s19+$0x1D0]  }
0xa2: {  	v22 =	vld [tilespmem:s19+$0x41D0]  }
0xa3: {  	v23 =	vld [tilespmem:s19+$0x81D0]  }
0xa4: {  	v24 =	vld [tilespmem:s19+$0x1E0]  }
0xa5: {  	v25 =	vld [tilespmem:s19+$0x41E0]  }
0xa6: {  	v26 =	vld [tilespmem:s19+$0x81E0]  }
0xa7: {  	v27 =	vld [tilespmem:s19+$0x1F0]  }
0xa8: {  	v28 =	vld [tilespmem:s19+$0x41F0]  }
0xa9: {  	v29 =	vld [tilespmem:s19+$0x81F0]  }
0xaa: {  	v30 =	vld [tilespmem:s19+$0x580]  }
0xab: {  	v31 =	vld [tilespmem:s19+$0x4580]  }
0xac: {  	v32 =	vld [tilespmem:s19+$0x8580]  }
0xad: {  	v33 =	vld [tilespmem:s19+$0x590]  }
0xae: {  	v34 =	vld [tilespmem:s19+$0x4590]  }
0xaf: {  	v35 =	vld [tilespmem:s19+$0x8590]  }
0xb0: {  	v36 =	vld [tilespmem:s19+$0x5A0]  }
0xb1: {  	v37 =	vld [tilespmem:s19+$0x45A0]  }
0xb2: {  	v38 =	vld [tilespmem:s19+$0x85A0]  }
0xb3: {  	v39 =	vld [tilespmem:s19+$0x5B0]  }
0xb4: {  	v40 =	vld [tilespmem:s19+$0x45B0]  }
0xb5: {  	v41 =	vld [tilespmem:s19+$0x85B0]  }
0xb6: {  	v42 =	vld [tilespmem:s19+$0x5C0]  }
0xb7: {  	v43 =	vld [tilespmem:s19+$0x45C0]  }
0xb8: {  	v44 =	vld [tilespmem:s19+$0x85C0]  }
0xb9: {  	v45 =	vld [tilespmem:s19+$0x5D0]  }
0xba: {  	v46 =	vld [tilespmem:s19+$0x45D0]  }
0xbb: {  	v47 =	vld [tilespmem:s19+$0x85D0]  }
0xbc: {  	v48 =	vld [tilespmem:s19+$0x5E0]  }
0xbd: {  	v49 =	vld [tilespmem:s19+$0x45E0]  }
0xbe: {  	v50 =	vld [tilespmem:s19+$0x85E0]  }
0xbf: {  	v51 =	vld [tilespmem:s19+$0x5F0];
	v6 =	vmul.f32 v6, v5  }
0xc0: {  	v52 =	vld [tilespmem:s19+$0x45F0];
	v7 =	vmul.f32 v7, v4;
	v9 =	vmul.f32 v9, v5  }
0xc1: {  	v53 =	vld [tilespmem:s19+$0x85F0];
	v10 =	vmul.f32 v10, v4;
	v56 =	vmul.f32 v8, v3  }
0xc2: {  	v54 =	vld [tilespmem:s19+$0x980];
	v57 =	vmul.f32 v11, v3;
	v58 =	vmul.f32 v12, v5  }
0xc3: {  	v8 =	vld [tilespmem:s19+$0x4980];
	v59 =	vmul.f32 v13, v4;
	v60 =	vmul.f32 v15, v5  }
0xc4: {  	v11 =	vld [tilespmem:s19+$0x8980];
	v61 =	vmul.f32 v16, v4;
	v62 =	vmul.f32 v14, v3  }
0xc5: {  	v13 =	vld [tilespmem:s19+$0x990];
	v63 =	vmul.f32 v17, v3;
	v55 =	vmul.f32 v18, v5  }
0xc6: {  	v16 =	vld [tilespmem:s19+$0x4990];
	v45 =	vmul.f32 v45, v5;
	v46 =	vmul.f32 v46, v4;
	v6 =	vadd.f32 v7, v6  }
0xc7: {  	v17 =	vld [tilespmem:s19+$0x8990];
	v54 =	vmul.f32 v54, v5;
	v9 =	vadd.f32 v10, v9;
	v7 =	vadd.f32 v59, v58  }
0xc8: {  	v10 =	vadd.f32 v61, v60;
	v58 =	vmul.f32 v21, v5;
	v21 =	vld [tilespmem:s19+$0x49A0];
	v59 =	vmul.f32 v22, v4  }
0xc9: {  	v60 =	vmul.f32 v23, v3;
	v23 =	vld [tilespmem:s19+$0x89A0];
	v61 =	vmul.f32 v24, v5;
	v6 =	vadd.f32 v56, v6  }
0xca: {  	v24 =	vld [tilespmem:s19+$0x89B0];
	v9 =	vadd.f32 v57, v9;
	v56 =	vmul.f32 v19, v4;
	v7 =	vadd.f32 v62, v7  }
0xcb: {  	v19 =	vld [tilespmem:s19+$0x9A0];
	v57 =	vmul.f32 v20, v3;
	v10 =	vadd.f32 v63, v10;
	v62 =	vmul.f32 v25, v4  }
0xcc: {  	v25 =	vld [tilespmem:s19+$0x9B0];
	v14 =	vadd.f32 v59, v58;
	v63 =	vmul.f32 v27, v5;
	v58 =	vmul.f32 v29, v3  }
0xcd: {  	v59 =	vmul.f32 v30, v5;
	v29 =	vld [tilespmem:s19+$0x49C0];
	v8 =	vmul.f32 v8, v4;
	v15 =	vadd.f32 v56, v55  }
0xce: {  	v55 =	vmul.f32 v28, v4;
	v28 =	vld [tilespmem:s19+$0x49B0];
	v14 =	vadd.f32 v60, v14;
	v60 =	vmul.f32 v31, v4  }
0xcf: {  	v56 =	vadd.f32 v62, v61;
	v61 =	vmul.f32 v33, v5;
	v62 =	vmul.f32 v34, v4;
	v31 =	vld [tilespmem:s19+$0x89C0]  }
0xd0: {  	v33 =	vld [tilespmem:s19+$0x9D0];
	v23 =	vmul.f32 v23, v3;
	v24 =	vmul.f32 v24, v3;
	v12 =	vadd.f32 v57, v15  }
0xd1: {  	v57 =	vmul.f32 v26, v3;
	v20 =	vadd.f32 v55, v63;
	v26 =	vld [tilespmem:s19+$0x9C0];
	v63 =	vmul.f32 v32, v3  }
0xd2: {  	v18 =	vadd.f32 v60, v59;
	v55 =	vmul.f32 v35, v3;
	v35 =	vld [tilespmem:s19+$0x49D0];
	v59 =	vmul.f32 v39, v5  }
0xd3: {  	v22 =	vadd.f32 v62, v61;
	v60 =	vmul.f32 v40, v4;
	v61 =	vmul.f32 v41, v3;
	v39 =	vld [tilespmem:s19+$0x9E0]  }
0xd4: {  	v62 =	vmul.f32 v42, v5;
	v41 =	vld [tilespmem:s19+$0x49E0];
	v29 =	vmul.f32 v29, v4;
	v15 =	vadd.f32 v57, v56  }
0xd5: {  	v40 =	vld [tilespmem:s19+$0x9F0];
	v20 =	vadd.f32 v58, v20;
	v56 =	vmul.f32 v36, v5;
	v57 =	vmul.f32 v37, v4  }
0xd6: {  	v42 =	vld [tilespmem:s19+$0x49F0];
	v18 =	vadd.f32 v63, v18;
	v58 =	vmul.f32 v38, v3;
	v22 =	vadd.f32 v55, v22  }
0xd7: {  	v37 =	vld [tilespmem:s19+$0x89D0];
	v63 =	vmul.f32 v43, v4;
	v32 =	vadd.f32 v60, v59;
	v59 =	vmul.f32 v49, v4  }
0xd8: {  	v43 =	vld [tilespmem:s19+$0x89E0];
	v36 =	vadd.f32 v46, v45;
	v60 =	vmul.f32 v51, v5;
	v34 =	vmul.f32 v33, v5  }
0xd9: {  	v45 =	vld [tilespmem:s19+$0x89F0];
	v38 =	vmul.f32 v31, v3;
	v30 =	vadd.f32 v57, v56;
	v56 =	vmul.f32 v44, v3  }
0xda: {  	v46 =	vld [tilespmem:s19+$0x8D80];
	v32 =	vadd.f32 v61, v32;
	v57 =	vmul.f32 v47, v3;
	v61 =	vmul.f32 v52, v4  }
0xdb: {  	[tilespmem:s19+$0xF180] =	vst v6;
	v49 =	vld [tilespmem:s19+$0x8DB0];
	v55 =	vadd.f32 v63, v62;
	v63 =	vmul.f32 v50, v3;
	v52 =	vmul.f32 v53, v3  }
0xdc: {  	[tilespmem:s19+$0xF190] =	vst v9;
	v47 =	vld [tilespmem:s19+$0xD80];
	v35 =	vmul.f32 v35, v4;
	v50 =	vmul.f32 v39, v5  }
0xdd: {  	v8 =	vadd.f32 v8, v54;
	[tilespmem:s19+$0xF1E0] =	vst v15;
	v15 =	vld [tilespmem:s19+$0x4DA0];
	v51 =	vmul.f32 v41, v4;
	v54 =	vmul.f32 v40, v5  }
0xde: {  	[tilespmem:s19+$0xF590] =	vst v22;
	v22 =	vld [tilespmem:s19+$0x4DB0];
	v27 =	vadd.f32 v58, v30;
	v30 =	vadd.f32 v56, v55;
	v58 =	vmul.f32 v48, v5  }
0xdf: {  	[tilespmem:s19+$0xF1A0] =	vst v7;
	v36 =	vadd.f32 v57, v36;
	v48 =	vld [tilespmem:s19+$0x4D80];
	v55 =	vmul.f32 v11, v3;
	v56 =	vmul.f32 v13, v5  }
0xe0: {  	[tilespmem:s19+$0xF1B0] =	vst v10;
	v53 =	vadd.f32 v61, v60;
	v13 =	vld [tilespmem:s19+$0xD90];
	v57 =	vmul.f32 v16, v4;
	v60 =	vmul.f32 v21, v4  }
0xe1: {  	[tilespmem:s19+$0xF1D0] =	vst v14;
	v21 =	vld [tilespmem:s19+$0x8D90];
	v61 =	vmul.f32 v25, v5;
	v44 =	vmul.f32 v37, v3  }
0xe2: {  	[tilespmem:s19+$0xF1C0] =	vst v12;
	v25 =	vld [tilespmem:s19+$0xDA0];
	v14 =	vadd.f32 v35, v34;
	v34 =	vmul.f32 v46, v3;
	v62 =	vadd.f32 v59, v58  }
0xe3: {  	[tilespmem:s19+$0xF1F0] =	vst v20;
	v16 =	vld [tilespmem:s19+$0x8DA0];
	v9 =	vadd.f32 v52, v53;
	v58 =	vmul.f32 v17, v3;
	v59 =	vmul.f32 v19, v5  }
0xe4: {  	[tilespmem:s19+$0xF580] =	vst v18;
	v35 =	vld [tilespmem:s19+$0x8DD0];
	v10 =	vadd.f32 v57, v56;
	v53 =	vmul.f32 v43, v3;
	v56 =	vmul.f32 v42, v4  }
0xe5: {  	[tilespmem:s19+$0xF5B0] =	vst v32;
	v46 =	vld [tilespmem:s19+$0x4DF0];
	v7 =	vadd.f32 v55, v8;
	v57 =	vmul.f32 v45, v3;
	v45 =	vmul.f32 v49, v3  }
0xe6: {  	v17 =	vld [tilespmem:s19+$0x4D90];
	[tilespmem:s19+$0xF5A0] =	vst v27;
	v14 =	vadd.f32 v44, v14;
	v15 =	vmul.f32 v15, v4;
	v42 =	vmul.f32 v22, v4  }
0xe7: {  	v19 =	vld [tilespmem:s19+$0xDB0];
	[tilespmem:s19+$0xF5C0] =	vst v30;
	v6 =	vadd.f32 v63, v62;
	v62 =	vmul.f32 v28, v4;
	v63 =	vadd.f32 v60, v59  }
0xe8: {  	v52 =	vld [tilespmem:s19+$0xDC0];
	[tilespmem:s19+$0xF5D0] =	vst v36;
	v10 =	vadd.f32 v58, v10;
	v28 =	vmul.f32 v26, v5;
	v60 =	vmul.f32 v47, v5  }
0xe9: {  	v55 =	vld [tilespmem:s19+$0x4DC0];
	v59 =	vadd.f32 v51, v50;
	[tilespmem:s19+$0xF5F0] =	vst v9;
	v13 =	vmul.f32 v13, v5;
	v37 =	vmul.f32 v21, v3  }
0xea: {  	v43 =	vld [tilespmem:s19+$0x4DE0];
	[tilespmem:s19+$0xF980] =	vst v7;
	v39 =	vmul.f32 v25, v5;
	v44 =	vmul.f32 v16, v3;
	v11 =	vadd.f32 v62, v61  }
0xeb: {  	v58 =	vld [tilespmem:s19+$0x8DC0];
	[tilespmem:s19+$0xF9D0] =	vst v14;
	v8 =	vadd.f32 v23, v63;
	v12 =	vadd.f32 v29, v28;
	v61 =	vmul.f32 v48, v4  }
0xec: {  	[tilespmem:s19+$0xF5E0] =	vst v6;
	v62 =	vld [tilespmem:s19+$0xDD0];
	v63 =	vadd.f32 v56, v54;
	v6 =	vadd.f32 v53, v59;
	v59 =	vmul.f32 v35, v3  }
0xed: {  	v28 =	vld [tilespmem:s19+$0x4DD0];
	[tilespmem:s19+$0xF990] =	vst v10;
	v17 =	vmul.f32 v17, v4;
	v47 =	vmul.f32 v52, v5;
	v11 =	vadd.f32 v24, v11  }
0xee: {  	v48 =	vmul.f32 v55, v4;
	v12 =	vadd.f32 v38, v12;
	v33 =	vadd.f32 v61, v60;
	v38 =	vld [tilespmem:s19+$0xDE0];
	[tilespmem:s19+$0xF9A0] =	vst v8  }
0xef: {  	v40 =	vld [tilespmem:s19+$0xDF0];
	v41 =	vmul.f32 v19, v5;
	v9 =	vadd.f32 v57, v63;
	v8 =	vadd.f32 v15, v39;
	[tilespmem:s19+$0xF9E0] =	vst v6  }
0xf0: {  	v49 =	vld [tilespmem:s19+$0x8DE0];
	v36 =	vadd.f32 v17, v13;
	v56 =	vadd.f32 v48, v47;
	v57 =	vmul.f32 v58, v3;
	[tilespmem:s19+$0xF9B0] =	vst v11  }
0xf1: {  	v53 =	vld [tilespmem:s19+$0x8DF0];
	v58 =	vmul.f32 v43, v4;
	v7 =	vadd.f32 v34, v33;
	[tilespmem:s19+$0xF9C0] =	vst v12;
	v11 =	vadd.f32 v42, v41  }
0xf2: {  	v50 =	vadd.f32 v44, v8;
	[tilespmem:s19+$0xF9F0] =	vst v9;
	v51 =	vmul.f32 v62, v5;
	v55 =	vmul.f32 v28, v4  }
0xf3: {  	v10 =	vadd.f32 v37, v36;
	v4 =	vmul.f32 v46, v4;
	[tilespmem:s19+$0xFD80] =	vst v7;
	v52 =	vmul.f32 v38, v5  }
0xf4: {  	v60 =	vadd.f32 v57, v56;
	[tilespmem:s19+$0xFDA0] =	vst v50;
	v5 =	vmul.f32 v40, v5;
	v8 =	vadd.f32 v55, v51  }
0xf5: {  	p0 =	sne.s32 s3, $0xF80;
	v62 =	vmul.f32 v49, v3;
	v54 =	vadd.f32 v45, v11;
	[tilespmem:s19+$0xFD90] =	vst v10;
	v61 =	vadd.f32 v58, v52  }
.Ltmp0:
0xf6: {  	v3 =	vmul.f32 v53, v3;
	[tilespmem:s19+$0xFDC0] =	vst v60;
	v8 =	vadd.f32 v59, v8;
	v4 =	vadd.f32 v4, v5;
	(pc) =	sbr.rel @p0 .LBB2_3-.Ltmp0, $4  }
0xf7: {  	[tilespmem:s19+$0xFDB0] =	vst v54;
	v63 =	vadd.f32 v62, v61  }
0xf8: {  	[tilespmem:s19+$0xFDD0] =	vst v8;
	v3 =	vadd.f32 v3, v4  }
0xf9: {  	[tilespmem:s19+$0xFDE0] =	vst v63  }
0xfa: {  	s15 =	sadd.s32 $0x200, s15;
	s3 =	sadd.s32 $0x80, s3;
	[tilespmem:s19+$0xFDF0] =	vst v3  }
0xfb: {  	s1 =	sadd.s32 $0x1, s1  }
0xfc: {  	s0 =	sshll.u32 s0, $0x6;
	p0 =	sne.s32 s1, $0x10  }
.Ltmp1:
0xfd: {  	s3 =	simm.s32 $0x0;
	s0 =	sadd.s32 s7, s0;
	(pc) =	sbr.rel @p0 .LBB2_2-.Ltmp1, $4  }
0xfe: {  	[hbm4b:s0+s3] =	stream.linear.scatter [tilespmem:s31], [sflag:$0x4], $0x4000, $0x38;
	[tilespmem:$0x13180] =	vst v63  }
0xff: {  	_ =	swait.ge [sflag:s16], $0x4000  }
0x100: {  	[sflag:s16] =	ssyncset.done $0x0  }
0x101: {  	[sflag:s16] =	ssyncadd.s32 $0xFFFFC000  }
0x102: {  	s1 =	rddreg [dreg:$0x4]  }
0x103: {  	s0 =	rddreg [dreg:$0x3];
	s1 =	sadd.s32 $0x1, s1  }
0x104: {  	p0 =	sne.s32 s1, s0  }
.Ltmp2:
0x105: {  	_ = 	snop;
	(pc) =	sbr.rel @p0 .LBB2_1-.Ltmp2, $1  }
0x106: {  	_ =	sdelay $0x3  }
0x107: {  	_ =	sfence.sel $0x180000  }
0x108: {  	[bflag:$0x0] =	sbarrier.arrive $0xFFFF  }
0x109: {  	_ =	strace $0x90000047  }
0x10a: {  	s0 =	stileid.u32;
	[bflag:$0x2] =	sbarrier.arrive $0xFFFF  }
0x10b: {  	p0 =	sne.s32 s0, $0x0;
	s0 =	rddreg [dreg:$0x2]  }
0x10c: {  	s0 =	sadd.s32 @!p0 $0x100000, s0  }
0x10d: {  	[sflag:s0] =	ssyncadd.tile.s32 @!p0 $0x1;
	_ =	shalt  }
.Lfunc_end2:
_tile_overlayer_lowered:
.L_overlay_start_2:
0x10e: {  	(tag) =	ssettag $0x2  }
0x10f: {  	s0 =	rddreg [dreg:$0x0];
	s2 =	stileid.u32  }
0x110: {  	s1 =	rddreg [dreg:$0x1];
	p0 =	sne.s32 s2, $0x0  }
0x111: {  	s3 =	rddreg [dreg:$0x2];
	[bflag:$0x3] =	sbarrier.arrive $0xFFFF;
	s2 =	simm.s32 @!p0 $0x1C04  }
0x112: {  	[timem:s3], [sflag:s2] =	dma.local @!p0 [hbm:s0], s1  }
0x113: {  	s0 =	simm.s32 @!p0 $0x4  }
0x114: {  	_ =	swait.ge @!p0 [sflag:s0], s1  }
0x115: {  	s1 =	ssub.s32 @!p0 $0x0, s1;
	[sflag:s0] =	ssyncset.done @!p0 $0x0  }
0x116: {  	[sflag:s0] =	ssyncadd.s32 @!p0 s1  }
0x117: {  	[bflag:$0x3] =	sbarrier.arrive $0xFFFF  }
0x118: {  	_ =	shalt  }

</sc_bundles>
